<compile_context>
chip_gen: v7x
topology: tpu7x:2x2x1
jax: 0.10.2.dev20260603
libtpu: 0.0.44.dev20260713+nightly
codegen_flags: <defaults>
</compile_context>

<pallas_src>
import jax
import jax.numpy as jnp
from jax import lax
from jax.experimental import pallas as pl
from jax.experimental.pallas import tpu as pltpu
from jax.experimental.pallas import tpu_sc as plsc

B, N, C, FF, E, K = 16, 8, 256, 1024, 8, 2
L = B * N

_SC_CORES = 2
_TOK = 16
_T = L // _TOK


def _logits_kernel(x_ref, rw_ref, out_ref):
    lt = jax.lax.dot_general(
        rw_ref[:], x_ref[:], dimension_numbers=(((1,), (1,)), ((), ())),
        preferred_element_type=jnp.float32)
    for t in range(_T):
        out_ref[t] = lt[:, t * _TOK:(t + 1) * _TOK]


def _router_sc(logits_hbm, gates_hbm, lg_v, gt_v):
    cid = lax.axis_index("c")
    sid = lax.axis_index("s")
    wid = sid * _SC_CORES + cid

    @pl.when(wid < _T)
    def _():
        pltpu.sync_copy(logits_hbm.at[wid], lg_v)
        ls = [lg_v[e] for e in range(E)]
        m = ls[0]
        for e in range(1, E):
            m = jnp.maximum(m, ls[e])
        exs = [jnp.exp(l - m) for l in ls]
        s = exs[0]
        for e in range(1, E):
            s = s + exs[e]
        ps = [ex / s for ex in exs]
        p1 = ps[0]
        for e in range(1, E):
            p1 = jnp.maximum(p1, ps[e])
        i1 = jnp.full((_TOK,), float(E), jnp.float32)
        for e in range(E):
            i1 = jnp.minimum(i1, jnp.where(ps[e] == p1, float(e), float(E)))
        pm = [jnp.where(i1 == float(e), -1.0, ps[e]) for e in range(E)]
        p2 = pm[0]
        for e in range(1, E):
            p2 = jnp.maximum(p2, pm[e])
        i2 = jnp.full((_TOK,), float(E), jnp.float32)
        for e in range(E):
            i2 = jnp.minimum(i2, jnp.where(pm[e] == p2, float(e), float(E)))
        denom = p1 + p2 + 1e-9
        for e in range(E):
            sel = jnp.where(i1 == float(e), ps[e], 0.0) + \
                  jnp.where(i2 == float(e), ps[e], 0.0)
            gt_v[e] = sel / denom
        pltpu.sync_copy(gt_v, gates_hbm.at[wid])


_router_call = pl.kernel(
    _router_sc,
    out_type=jax.ShapeDtypeStruct((_T, E, _TOK), jnp.float32),
    mesh=plsc.VectorSubcoreMesh(core_axis_name="c", subcore_axis_name="s"),
    scratch_types=[
        pltpu.VMEM((E, _TOK), jnp.float32),
        pltpu.VMEM((E, _TOK), jnp.float32),
    ],
)

_CHUNKS = [(0, 2), (2, 4), (4, 6), (6, 8)]


def _experts_kernel(x_ref, b1_ref, b2_ref, w1_hbm, w2_hbm, eo_ref,
                    w1_buf, w2_buf, sem1, sem2):
    def copies(ci):
        lo, hi = _CHUNKS[ci]
        sl = pl.ds(lo, hi - lo)
        return (pltpu.make_async_copy(w1_hbm.at[sl], w1_buf.at[sl], sem1.at[ci]),
                pltpu.make_async_copy(w2_hbm.at[sl], w2_buf.at[sl], sem2.at[ci]))

    for ci in range(len(_CHUNKS)):
        for c in copies(ci):
            c.start()

    xf = x_ref[:]
    for ci, (lo, hi) in enumerate(_CHUNKS):
        for c in copies(ci):
            c.wait()
        for e in range(lo, hi):
            h = jax.lax.dot_general(
                xf, w1_buf[e], dimension_numbers=(((1,), (1,)), ((), ())),
                preferred_element_type=jnp.float32) + b1_ref[e][None, :]
            h = jnp.maximum(h, 0.0)
            o = jax.lax.dot_general(
                h, w2_buf[e], dimension_numbers=(((1,), (1,)), ((), ())),
                preferred_element_type=jnp.float32) + b2_ref[e][None, :]
            eo_ref[e] = o


def _combine_kernel(eo_ref, g_ref, out_ref):
    g = g_ref[:]
    acc = g[:, 0:1] * eo_ref[0]
    for e in range(1, E):
        acc = acc + g[:, e:e + 1] * eo_ref[e]
    out_ref[:] = acc


def kernel(x, router_w, w1_all, b1_all, w2_all, b2_all):
    xf = x.reshape(L, C)
    logits_blk = pl.pallas_call(
        _logits_kernel,
        out_shape=jax.ShapeDtypeStruct((_T, E, _TOK), jnp.float32),
    )(xf, router_w)

    gates_blk = _router_call(logits_blk)
    gates = gates_blk.swapaxes(1, 2).reshape(L, E)

    eo = pl.pallas_call(
        _experts_kernel,
        in_specs=[
            pl.BlockSpec(memory_space=pltpu.MemorySpace.VMEM),
            pl.BlockSpec(memory_space=pltpu.MemorySpace.VMEM),
            pl.BlockSpec(memory_space=pltpu.MemorySpace.VMEM),
            pl.BlockSpec(memory_space=pl.ANY),
            pl.BlockSpec(memory_space=pl.ANY),
        ],
        out_specs=pl.BlockSpec(memory_space=pltpu.MemorySpace.VMEM),
        out_shape=jax.ShapeDtypeStruct((E, L, C), jnp.float32),
        scratch_shapes=[
            pltpu.VMEM((E, FF, C), jnp.float32),
            pltpu.VMEM((E, C, FF), jnp.float32),
            pltpu.SemaphoreType.DMA((len(_CHUNKS),)),
            pltpu.SemaphoreType.DMA((len(_CHUNKS),)),
        ],
    )(xf, b1_all, b2_all, w1_all, w2_all)

    out = pl.pallas_call(
        _combine_kernel,
        out_shape=jax.ShapeDtypeStruct((L, C), jnp.float32),
    )(eo, gates)
    return out.reshape(B, N, C)

# --- scband reference (transcript-rebuilt; emitter-appended) ---
"""Pipeline reference for scband-mo-elayer-6605659701904 (READ-ONLY COPY).

The authoritative reference and input builder live on the scoring server;
editing this copy changes nothing except your own understanding.
"""

import jax, jax.numpy as jnp
import numpy as np

B, N, C, FF, E, K = 16, 8, 256, 1024, 8, 2

def setup_inputs(seed: int = 0) -> dict:
    key = jax.random.key(seed)
    ks = jax.random.split(key, 4)
    x = jax.random.normal(ks[0], (B, N, C), dtype=jnp.float32)
    router_w = (jax.random.normal(ks[1], (E, C), dtype=jnp.float32) * 0.01)
    lim = float(np.sqrt(6.0 / (C + FF)))
    w1_all = jax.random.uniform(ks[2], (E, FF, C), minval=-lim, maxval=lim, dtype=jnp.float32)
    b1_all = jnp.zeros((E, FF), dtype=jnp.float32)
    w2_all = jax.random.uniform(ks[3], (E, C, FF), minval=-lim, maxval=lim, dtype=jnp.float32)
    b2_all = jnp.zeros((E, C), dtype=jnp.float32)
    return {"x": x, "router_w": router_w, "w1_all": w1_all, "b1_all": b1_all, "w2_all": w2_all, "b2_all": b2_all}

def reference(x, router_w, w1_all, b1_all, w2_all, b2_all):
    b, n, c = x.shape
    L = b * n
    # router (Linear, no bias): logits = x @ W^T
    router_logits = jnp.einsum('bnc,ec->bne', x, router_w)
    router_probs = jax.nn.softmax(router_logits, axis=-1)
    expert_weights, expert_indices = jax.lax.top_k(router_probs, K)
    expert_weights = expert_weights / (jnp.sum(expert_weights, axis=-1, keepdims=True) + 1e-09)
    flat_expert_indices = expert_indices.reshape(-1)  # [L*K]
    # sync-free weight gathering: per-token expert weight matrices
    w1 = jnp.take(w1_all, flat_expert_indices, axis=0)  # [L*K, FF, C]
    b1 = jnp.take(b1_all, flat_expert_indices, axis=0)  # [L*K, FF]
    x_flat = x.reshape(L, c)
    x_expanded = jnp.repeat(x_flat, K, axis=0)[:, None, :]  # [L*K, 1, C]
    h = jnp.matmul(x_expanded, jnp.swapaxes(w1, 1, 2)) + b1[:, None, :]
    h = jax.nn.relu(h)  # dropout p=0.0 -> identity
    w2 = jnp.take(w2_all, flat_expert_indices, axis=0)  # [L*K, C, FF]
    b2 = jnp.take(b2_all, flat_expert_indices, axis=0)  # [L*K, C]
    out = jnp.matmul(h, jnp.swapaxes(w2, 1, 2)) + b2[:, None, :]  # [L*K, 1, C]
    out = out.reshape(L, K, c)
    out = out * expert_weights.reshape(L, K, 1)
    final_output = jnp.sum(out, axis=1)
    return final_output.reshape(b, n, c)

if __name__ == "__main__":
    import jax
    _d = setup_inputs()
    print(jax.jit(kernel)(*tuple(_d.values())))

</pallas_src>

<mosaic_0001>
#map = affine_map<(d0, d1) -> (0, 0, 0)>
module attributes {stable_mosaic.version = 14 : i64} {
  func.func @_router_sc(%arg0: i32, %arg1: i32, %arg2: memref<8x8x16xf32, #tpu.memory_space<hbm>>, %arg3: memref<8x8x16xf32, #tpu.memory_space<hbm>>, %arg4: memref<8x16xf32, #tpu.memory_space<vmem>>, %arg5: memref<8x16xf32, #tpu.memory_space<vmem>>) attributes {dimension_semantics = [#tpu.dimension_semantics<core_parallel>, #tpu.dimension_semantics<subcore_parallel>], iteration_bounds = array<i64: 2, 16>, scalar_prefetch = 0 : i64, scratch_operands = 2 : i64, tpu.core_type = #tpu.core_type<sc_vector_subcore>, window_params = [{transform_indices = #map}, {transform_indices = #map}]} {
    %mul3A = arith.constant 2 : i32
    %mul3A_0 = arith.muli %arg1, %mul3A : i32
    %add3A = arith.addi %mul3A_0, %arg0 : i32
    %lt3A = arith.constant 8 : i32
    %lt3A_1 = arith.cmpi slt, %add3A, %lt3A : i32
    %convert_element_type3A = arith.extui %lt3A_1 : i1 to i32
    %cond3A = arith.constant 0 : i32
    %cond3A_2 = arith.cmpi ne, %convert_element_type3A, %cond3A : i32
    scf.if %cond3A_2 {
      "tpu.region"() ({
        %run_scoped3A = tpu.sem_alloc : memref<!tpu.dma_semaphore, #tpu.memory_space<semaphore_mem>>
        %dma_start3A = arith.constant 0 : i32
        %dma_start3A_412 = arith.constant 0 : i32
        %dma_start3A_413 = tpu.memref_slice %arg2[%add3A, %dma_start3A, %dma_start3A_412] : memref<8x8x16xf32, #tpu.memory_space<hbm>> -> memref<1x8x16xf32, #tpu.memory_space<hbm>>
        %dma_start3A_414 = tpu.memref_squeeze %dma_start3A_413 : memref<1x8x16xf32, #tpu.memory_space<hbm>> -> memref<8x16xf32, #tpu.memory_space<hbm>>
        %dma_start3A_415 = arith.constant 0 : i32
        %dma_start3A_416 = arith.constant 0 : i32
        %dma_start3A_417 = tpu.memref_slice %arg2[%add3A, %dma_start3A_415, %dma_start3A_416] : memref<8x8x16xf32, #tpu.memory_space<hbm>> -> memref<1x8x16xf32, #tpu.memory_space<hbm>>
        %dma_start3A_418 = tpu.memref_squeeze %dma_start3A_417 : memref<1x8x16xf32, #tpu.memory_space<hbm>> -> memref<8x16xf32, #tpu.memory_space<hbm>>
        tpu.enqueue_dma source(%dma_start3A_418 : memref<8x16xf32, #tpu.memory_space<hbm>>) target(%arg4 : memref<8x16xf32, #tpu.memory_space<vmem>>) target_semaphore(%run_scoped3A : memref<!tpu.dma_semaphore, #tpu.memory_space<semaphore_mem>>)
        %dma_wait3A = arith.constant 0 : i32
        %dma_wait3A_419 = arith.constant 0 : i32
        %dma_wait3A_420 = tpu.memref_slice %arg2[%add3A, %dma_wait3A, %dma_wait3A_419] : memref<8x8x16xf32, #tpu.memory_space<hbm>> -> memref<1x8x16xf32, #tpu.memory_space<hbm>>
        %dma_wait3A_421 = tpu.memref_squeeze %dma_wait3A_420 : memref<1x8x16xf32, #tpu.memory_space<hbm>> -> memref<8x16xf32, #tpu.memory_space<hbm>>
        %dma_wait3A_422 = arith.constant 0 : i32
        %dma_wait3A_423 = arith.constant 0 : i32
        %dma_wait3A_424 = tpu.memref_slice %arg2[%add3A, %dma_wait3A_422, %dma_wait3A_423] : memref<8x8x16xf32, #tpu.memory_space<hbm>> -> memref<1x8x16xf32, #tpu.memory_space<hbm>>
        %dma_wait3A_425 = tpu.memref_squeeze %dma_wait3A_424 : memref<1x8x16xf32, #tpu.memory_space<hbm>> -> memref<8x16xf32, #tpu.memory_space<hbm>>
        tpu.wait_dma2 semaphore(%run_scoped3A : memref<!tpu.dma_semaphore, #tpu.memory_space<semaphore_mem>>) src(%dma_wait3A_425 : memref<8x16xf32, #tpu.memory_space<hbm>>) dst(%arg4 : memref<8x16xf32, #tpu.memory_space<vmem>>)
        tpu.yield
      }) : () -> ()
      %get3A = arith.constant 0 : i32
      %get3A_3 = arith.index_cast %get3A : i32 to index
      %get3A_4 = arith.constant 0 : index
      %get3A_5 = tpu.vector_load %arg4[%get3A_3, %get3A_4] {strides = array<i32>} : memref<8x16xf32, #tpu.memory_space<vmem>>, vector<1x16xf32>,
      %get3A_6 = vector.shape_cast %get3A_5 : vector<1x16xf32> to vector<16xf32>
      %get3A_7 = arith.constant 1 : i32
      %get3A_8 = arith.index_cast %get3A_7 : i32 to index
      %get3A_9 = arith.constant 0 : index
      %get3A_10 = tpu.vector_load %arg4[%get3A_8, %get3A_9] {strides = array<i32>} : memref<8x16xf32, #tpu.memory_space<vmem>>, vector<1x16xf32>,
      %get3A_11 = vector.shape_cast %get3A_10 : vector<1x16xf32> to vector<16xf32>
      %get3A_12 = arith.constant 2 : i32
      %get3A_13 = arith.index_cast %get3A_12 : i32 to index
      %get3A_14 = arith.constant 0 : index
      %get3A_15 = tpu.vector_load %arg4[%get3A_13, %get3A_14] {strides = array<i32>} : memref<8x16xf32, #tpu.memory_space<vmem>>, vector<1x16xf32>,
      %get3A_16 = vector.shape_cast %get3A_15 : vector<1x16xf32> to vector<16xf32>
      %get3A_17 = arith.constant 3 : i32
      %get3A_18 = arith.index_cast %get3A_17 : i32 to index
      %get3A_19 = arith.constant 0 : index
      %get3A_20 = tpu.vector_load %arg4[%get3A_18, %get3A_19] {strides = array<i32>} : memref<8x16xf32, #tpu.memory_space<vmem>>, vector<1x16xf32>,
      %get3A_21 = vector.shape_cast %get3A_20 : vector<1x16xf32> to vector<16xf32>
      %get3A_22 = arith.constant 4 : i32
      %get3A_23 = arith.index_cast %get3A_22 : i32 to index
      %get3A_24 = arith.constant 0 : index
      %get3A_25 = tpu.vector_load %arg4[%get3A_23, %get3A_24] {strides = array<i32>} : memref<8x16xf32, #tpu.memory_space<vmem>>, vector<1x16xf32>,
      %get3A_26 = vector.shape_cast %get3A_25 : vector<1x16xf32> to vector<16xf32>
      %get3A_27 = arith.constant 5 : i32
      %get3A_28 = arith.index_cast %get3A_27 : i32 to index
      %get3A_29 = arith.constant 0 : index
      %get3A_30 = tpu.vector_load %arg4[%get3A_28, %get3A_29] {strides = array<i32>} : memref<8x16xf32, #tpu.memory_space<vmem>>, vector<1x16xf32>,
      %get3A_31 = vector.shape_cast %get3A_30 : vector<1x16xf32> to vector<16xf32>
      %get3A_32 = arith.constant 6 : i32
      %get3A_33 = arith.index_cast %get3A_32 : i32 to index
      %get3A_34 = arith.constant 0 : index
      %get3A_35 = tpu.vector_load %arg4[%get3A_33, %get3A_34] {strides = array<i32>} : memref<8x16xf32, #tpu.memory_space<vmem>>, vector<1x16xf32>,
      %get3A_36 = vector.shape_cast %get3A_35 : vector<1x16xf32> to vector<16xf32>
      %get3A_37 = arith.constant 7 : i32
      %get3A_38 = arith.index_cast %get3A_37 : i32 to index
      %get3A_39 = arith.constant 0 : index
      %get3A_40 = tpu.vector_load %arg4[%get3A_38, %get3A_39] {strides = array<i32>} : memref<8x16xf32, #tpu.memory_space<vmem>>, vector<1x16xf32>,
      %get3A_41 = vector.shape_cast %get3A_40 : vector<1x16xf32> to vector<16xf32>
      %max3A = arith.maximumf %get3A_6, %get3A_11 : vector<16xf32>
      %max3A_42 = arith.maximumf %max3A, %get3A_16 : vector<16xf32>
      %max3A_43 = arith.maximumf %max3A_42, %get3A_21 : vector<16xf32>
      %max3A_44 = arith.maximumf %max3A_43, %get3A_26 : vector<16xf32>
      %max3A_45 = arith.maximumf %max3A_44, %get3A_31 : vector<16xf32>
      %max3A_46 = arith.maximumf %max3A_45, %get3A_36 : vector<16xf32>
      %max3A_47 = arith.maximumf %max3A_46, %get3A_41 : vector<16xf32>
      %sub3A = arith.subf %get3A_6, %max3A_47 : vector<16xf32>
      %exp3A = math.exp %sub3A : vector<16xf32>
      %sub3A_48 = arith.subf %get3A_11, %max3A_47 : vector<16xf32>
      %exp3A_49 = math.exp %sub3A_48 : vector<16xf32>
      %sub3A_50 = arith.subf %get3A_16, %max3A_47 : vector<16xf32>
      %exp3A_51 = math.exp %sub3A_50 : vector<16xf32>
      %sub3A_52 = arith.subf %get3A_21, %max3A_47 : vector<16xf32>
      %exp3A_53 = math.exp %sub3A_52 : vector<16xf32>
      %sub3A_54 = arith.subf %get3A_26, %max3A_47 : vector<16xf32>
      %exp3A_55 = math.exp %sub3A_54 : vector<16xf32>
      %sub3A_56 = arith.subf %get3A_31, %max3A_47 : vector<16xf32>
      %exp3A_57 = math.exp %sub3A_56 : vector<16xf32>
      %sub3A_58 = arith.subf %get3A_36, %max3A_47 : vector<16xf32>
      %exp3A_59 = math.exp %sub3A_58 : vector<16xf32>
      %sub3A_60 = arith.subf %get3A_41, %max3A_47 : vector<16xf32>
      %exp3A_61 = math.exp %sub3A_60 : vector<16xf32>
      %add3A_62 = arith.addf %exp3A, %exp3A_49 : vector<16xf32>
      %add3A_63 = arith.addf %add3A_62, %exp3A_51 : vector<16xf32>
      %add3A_64 = arith.addf %add3A_63, %exp3A_53 : vector<16xf32>
      %add3A_65 = arith.addf %add3A_64, %exp3A_55 : vector<16xf32>
      %add3A_66 = arith.addf %add3A_65, %exp3A_57 : vector<16xf32>
      %add3A_67 = arith.addf %add3A_66, %exp3A_59 : vector<16xf32>
      %add3A_68 = arith.addf %add3A_67, %exp3A_61 : vector<16xf32>
      %div3A = arith.divf %exp3A, %add3A_68 : vector<16xf32>
      %div3A_69 = arith.divf %exp3A_49, %add3A_68 : vector<16xf32>
      %div3A_70 = arith.divf %exp3A_51, %add3A_68 : vector<16xf32>
      %div3A_71 = arith.divf %exp3A_53, %add3A_68 : vector<16xf32>
      %div3A_72 = arith.divf %exp3A_55, %add3A_68 : vector<16xf32>
      %div3A_73 = arith.divf %exp3A_57, %add3A_68 : vector<16xf32>
      %div3A_74 = arith.divf %exp3A_59, %add3A_68 : vector<16xf32>
      %div3A_75 = arith.divf %exp3A_61, %add3A_68 : vector<16xf32>
      %max3A_76 = arith.maximumf %div3A, %div3A_69 : vector<16xf32>
      %max3A_77 = arith.maximumf %max3A_76, %div3A_70 : vector<16xf32>
      %max3A_78 = arith.maximumf %max3A_77, %div3A_71 : vector<16xf32>
      %max3A_79 = arith.maximumf %max3A_78, %div3A_72 : vector<16xf32>
      %max3A_80 = arith.maximumf %max3A_79, %div3A_73 : vector<16xf32>
      %max3A_81 = arith.maximumf %max3A_80, %div3A_74 : vector<16xf32>
      %max3A_82 = arith.maximumf %max3A_81, %div3A_75 : vector<16xf32>
      %broadcast_in_dim3A = arith.constant 8.000000e+00 : f32
      %broadcast_in_dim3A_83 = vector.broadcast %broadcast_in_dim3A : f32 to vector<16xf32>
      %eq3A = arith.cmpf oeq, %div3A, %max3A_82 : vector<16xf32>
      %jit3A = arith.constant 0.000000e+00 : f32
      %jit3A_84 = arith.constant 8.000000e+00 : f32
      %broadcast_in_dim3A_85 = vector.broadcast %jit3A : f32 to vector<16xf32>
      %broadcast_in_dim3A_86 = vector.broadcast %jit3A_84 : f32 to vector<16xf32>
      %select_n3A = arith.select %eq3A, %broadcast_in_dim3A_85, %broadcast_in_dim3A_86 : vector<16xi1>, vector<16xf32>
      %min3A = arith.minimumf %broadcast_in_dim3A_83, %select_n3A : vector<16xf32>
      %eq3A_87 = arith.cmpf oeq, %div3A_69, %max3A_82 : vector<16xf32>
      %jit3A_88 = arith.constant 1.000000e+00 : f32
      %jit3A_89 = arith.constant 8.000000e+00 : f32
      %broadcast_in_dim3A_90 = vector.broadcast %jit3A_88 : f32 to vector<16xf32>
      %broadcast_in_dim3A_91 = vector.broadcast %jit3A_89 : f32 to vector<16xf32>
      %select_n3A_92 = arith.select %eq3A_87, %broadcast_in_dim3A_90, %broadcast_in_dim3A_91 : vector<16xi1>, vector<16xf32>
      %min3A_93 = arith.minimumf %min3A, %select_n3A_92 : vector<16xf32>
      %eq3A_94 = arith.cmpf oeq, %div3A_70, %max3A_82 : vector<16xf32>
      %jit3A_95 = arith.constant 2.000000e+00 : f32
      %jit3A_96 = arith.constant 8.000000e+00 : f32
      %broadcast_in_dim3A_97 = vector.broadcast %jit3A_95 : f32 to vector<16xf32>
      %broadcast_in_dim3A_98 = vector.broadcast %jit3A_96 : f32 to vector<16xf32>
      %select_n3A_99 = arith.select %eq3A_94, %broadcast_in_dim3A_97, %broadcast_in_dim3A_98 : vector<16xi1>, vector<16xf32>
      %min3A_100 = arith.minimumf %min3A_93, %select_n3A_99 : vector<16xf32>
      %eq3A_101 = arith.cmpf oeq, %div3A_71, %max3A_82 : vector<16xf32>
      %jit3A_102 = arith.constant 3.000000e+00 : f32
      %jit3A_103 = arith.constant 8.000000e+00 : f32
      %broadcast_in_dim3A_104 = vector.broadcast %jit3A_102 : f32 to vector<16xf32>
      %broadcast_in_dim3A_105 = vector.broadcast %jit3A_103 : f32 to vector<16xf32>
      %select_n3A_106 = arith.select %eq3A_101, %broadcast_in_dim3A_104, %broadcast_in_dim3A_105 : vector<16xi1>, vector<16xf32>
      %min3A_107 = arith.minimumf %min3A_100, %select_n3A_106 : vector<16xf32>
      %eq3A_108 = arith.cmpf oeq, %div3A_72, %max3A_82 : vector<16xf32>
      %jit3A_109 = arith.constant 4.000000e+00 : f32
      %jit3A_110 = arith.constant 8.000000e+00 : f32
      %broadcast_in_dim3A_111 = vector.broadcast %jit3A_109 : f32 to vector<16xf32>
      %broadcast_in_dim3A_112 = vector.broadcast %jit3A_110 : f32 to vector<16xf32>
      %select_n3A_113 = arith.select %eq3A_108, %broadcast_in_dim3A_111, %broadcast_in_dim3A_112 : vector<16xi1>, vector<16xf32>
      %min3A_114 = arith.minimumf %min3A_107, %select_n3A_113 : vector<16xf32>
      %eq3A_115 = arith.cmpf oeq, %div3A_73, %max3A_82 : vector<16xf32>
      %jit3A_116 = arith.constant 5.000000e+00 : f32
      %jit3A_117 = arith.constant 8.000000e+00 : f32
      %broadcast_in_dim3A_118 = vector.broadcast %jit3A_116 : f32 to vector<16xf32>
      %broadcast_in_dim3A_119 = vector.broadcast %jit3A_117 : f32 to vector<16xf32>
      %select_n3A_120 = arith.select %eq3A_115, %broadcast_in_dim3A_118, %broadcast_in_dim3A_119 : vector<16xi1>, vector<16xf32>
      %min3A_121 = arith.minimumf %min3A_114, %select_n3A_120 : vector<16xf32>
      %eq3A_122 = arith.cmpf oeq, %div3A_74, %max3A_82 : vector<16xf32>
      %jit3A_123 = arith.constant 6.000000e+00 : f32
      %jit3A_124 = arith.constant 8.000000e+00 : f32
      %broadcast_in_dim3A_125 = vector.broadcast %jit3A_123 : f32 to vector<16xf32>
      %broadcast_in_dim3A_126 = vector.broadcast %jit3A_124 : f32 to vector<16xf32>
      %select_n3A_127 = arith.select %eq3A_122, %broadcast_in_dim3A_125, %broadcast_in_dim3A_126 : vector<16xi1>, vector<16xf32>
      %min3A_128 = arith.minimumf %min3A_121, %select_n3A_127 : vector<16xf32>
      %eq3A_129 = arith.cmpf oeq, %div3A_75, %max3A_82 : vector<16xf32>
      %jit3A_130 = arith.constant 7.000000e+00 : f32
      %jit3A_131 = arith.constant 8.000000e+00 : f32
      %broadcast_in_dim3A_132 = vector.broadcast %jit3A_130 : f32 to vector<16xf32>
      %broadcast_in_dim3A_133 = vector.broadcast %jit3A_131 : f32 to vector<16xf32>
      %select_n3A_134 = arith.select %eq3A_129, %broadcast_in_dim3A_132, %broadcast_in_dim3A_133 : vector<16xi1>, vector<16xf32>
      %min3A_135 = arith.minimumf %min3A_128, %select_n3A_134 : vector<16xf32>
      %eq3A_136 = arith.constant 0.000000e+00 : f32
      %eq3A_137 = vector.broadcast %eq3A_136 : f32 to vector<16xf32>
      %eq3A_138 = arith.cmpf oeq, %min3A_135, %eq3A_137 : vector<16xf32>
      %jit3A_139 = arith.constant -1.000000e+00 : f32
      %broadcast_in_dim3A_140 = vector.broadcast %jit3A_139 : f32 to vector<16xf32>
      %select_n3A_141 = arith.select %eq3A_138, %broadcast_in_dim3A_140, %div3A : vector<16xi1>, vector<16xf32>
      %eq3A_142 = arith.constant 1.000000e+00 : f32
      %eq3A_143 = vector.broadcast %eq3A_142 : f32 to vector<16xf32>
      %eq3A_144 = arith.cmpf oeq, %min3A_135, %eq3A_143 : vector<16xf32>
      %jit3A_145 = arith.constant -1.000000e+00 : f32
      %broadcast_in_dim3A_146 = vector.broadcast %jit3A_145 : f32 to vector<16xf32>
      %select_n3A_147 = arith.select %eq3A_144, %broadcast_in_dim3A_146, %div3A_69 : vector<16xi1>, vector<16xf32>
      %eq3A_148 = arith.constant 2.000000e+00 : f32
      %eq3A_149 = vector.broadcast %eq3A_148 : f32 to vector<16xf32>
      %eq3A_150 = arith.cmpf oeq, %min3A_135, %eq3A_149 : vector<16xf32>
      %jit3A_151 = arith.constant -1.000000e+00 : f32
      %broadcast_in_dim3A_152 = vector.broadcast %jit3A_151 : f32 to vector<16xf32>
      %select_n3A_153 = arith.select %eq3A_150, %broadcast_in_dim3A_152, %div3A_70 : vector<16xi1>, vector<16xf32>
      %eq3A_154 = arith.constant 3.000000e+00 : f32
      %eq3A_155 = vector.broadcast %eq3A_154 : f32 to vector<16xf32>
      %eq3A_156 = arith.cmpf oeq, %min3A_135, %eq3A_155 : vector<16xf32>
      %jit3A_157 = arith.constant -1.000000e+00 : f32
      %broadcast_in_dim3A_158 = vector.broadcast %jit3A_157 : f32 to vector<16xf32>
      %select_n3A_159 = arith.select %eq3A_156, %broadcast_in_dim3A_158, %div3A_71 : vector<16xi1>, vector<16xf32>
      %eq3A_160 = arith.constant 4.000000e+00 : f32
      %eq3A_161 = vector.broadcast %eq3A_160 : f32 to vector<16xf32>
      %eq3A_162 = arith.cmpf oeq, %min3A_135, %eq3A_161 : vector<16xf32>
      %jit3A_163 = arith.constant -1.000000e+00 : f32
      %broadcast_in_dim3A_164 = vector.broadcast %jit3A_163 : f32 to vector<16xf32>
      %select_n3A_165 = arith.select %eq3A_162, %broadcast_in_dim3A_164, %div3A_72 : vector<16xi1>, vector<16xf32>
      %eq3A_166 = arith.constant 5.000000e+00 : f32
      %eq3A_167 = vector.broadcast %eq3A_166 : f32 to vector<16xf32>
      %eq3A_168 = arith.cmpf oeq, %min3A_135, %eq3A_167 : vector<16xf32>
      %jit3A_169 = arith.constant -1.000000e+00 : f32
      %broadcast_in_dim3A_170 = vector.broadcast %jit3A_169 : f32 to vector<16xf32>
      %select_n3A_171 = arith.select %eq3A_168, %broadcast_in_dim3A_170, %div3A_73 : vector<16xi1>, vector<16xf32>
      %eq3A_172 = arith.constant 6.000000e+00 : f32
      %eq3A_173 = vector.broadcast %eq3A_172 : f32 to vector<16xf32>
      %eq3A_174 = arith.cmpf oeq, %min3A_135, %eq3A_173 : vector<16xf32>
      %jit3A_175 = arith.constant -1.000000e+00 : f32
      %broadcast_in_dim3A_176 = vector.broadcast %jit3A_175 : f32 to vector<16xf32>
      %select_n3A_177 = arith.select %eq3A_174, %broadcast_in_dim3A_176, %div3A_74 : vector<16xi1>, vector<16xf32>
      %eq3A_178 = arith.constant 7.000000e+00 : f32
      %eq3A_179 = vector.broadcast %eq3A_178 : f32 to vector<16xf32>
      %eq3A_180 = arith.cmpf oeq, %min3A_135, %eq3A_179 : vector<16xf32>
      %jit3A_181 = arith.constant -1.000000e+00 : f32
      %broadcast_in_dim3A_182 = vector.broadcast %jit3A_181 : f32 to vector<16xf32>
      %select_n3A_183 = arith.select %eq3A_180, %broadcast_in_dim3A_182, %div3A_75 : vector<16xi1>, vector<16xf32>
      %max3A_184 = arith.maximumf %select_n3A_141, %select_n3A_147 : vector<16xf32>
      %max3A_185 = arith.maximumf %max3A_184, %select_n3A_153 : vector<16xf32>
      %max3A_186 = arith.maximumf %max3A_185, %select_n3A_159 : vector<16xf32>
      %max3A_187 = arith.maximumf %max3A_186, %select_n3A_165 : vector<16xf32>
      %max3A_188 = arith.maximumf %max3A_187, %select_n3A_171 : vector<16xf32>
      %max3A_189 = arith.maximumf %max3A_188, %select_n3A_177 : vector<16xf32>
      %max3A_190 = arith.maximumf %max3A_189, %select_n3A_183 : vector<16xf32>
      %broadcast_in_dim3A_191 = arith.constant 8.000000e+00 : f32
      %broadcast_in_dim3A_192 = vector.broadcast %broadcast_in_dim3A_191 : f32 to vector<16xf32>
      %eq3A_193 = arith.cmpf oeq, %select_n3A_141, %max3A_190 : vector<16xf32>
      %jit3A_194 = arith.constant 0.000000e+00 : f32
      %jit3A_195 = arith.constant 8.000000e+00 : f32
      %broadcast_in_dim3A_196 = vector.broadcast %jit3A_194 : f32 to vector<16xf32>
      %broadcast_in_dim3A_197 = vector.broadcast %jit3A_195 : f32 to vector<16xf32>
      %select_n3A_198 = arith.select %eq3A_193, %broadcast_in_dim3A_196, %broadcast_in_dim3A_197 : vector<16xi1>, vector<16xf32>
      %min3A_199 = arith.minimumf %broadcast_in_dim3A_192, %select_n3A_198 : vector<16xf32>
      %eq3A_200 = arith.cmpf oeq, %select_n3A_147, %max3A_190 : vector<16xf32>
      %jit3A_201 = arith.constant 1.000000e+00 : f32
      %jit3A_202 = arith.constant 8.000000e+00 : f32
      %broadcast_in_dim3A_203 = vector.broadcast %jit3A_201 : f32 to vector<16xf32>
      %broadcast_in_dim3A_204 = vector.broadcast %jit3A_202 : f32 to vector<16xf32>
      %select_n3A_205 = arith.select %eq3A_200, %broadcast_in_dim3A_203, %broadcast_in_dim3A_204 : vector<16xi1>, vector<16xf32>
      %min3A_206 = arith.minimumf %min3A_199, %select_n3A_205 : vector<16xf32>
      %eq3A_207 = arith.cmpf oeq, %select_n3A_153, %max3A_190 : vector<16xf32>
      %jit3A_208 = arith.constant 2.000000e+00 : f32
      %jit3A_209 = arith.constant 8.000000e+00 : f32
      %broadcast_in_dim3A_210 = vector.broadcast %jit3A_208 : f32 to vector<16xf32>
      %broadcast_in_dim3A_211 = vector.broadcast %jit3A_209 : f32 to vector<16xf32>
      %select_n3A_212 = arith.select %eq3A_207, %broadcast_in_dim3A_210, %broadcast_in_dim3A_211 : vector<16xi1>, vector<16xf32>
      %min3A_213 = arith.minimumf %min3A_206, %select_n3A_212 : vector<16xf32>
      %eq3A_214 = arith.cmpf oeq, %select_n3A_159, %max3A_190 : vector<16xf32>
      %jit3A_215 = arith.constant 3.000000e+00 : f32
      %jit3A_216 = arith.constant 8.000000e+00 : f32
      %broadcast_in_dim3A_217 = vector.broadcast %jit3A_215 : f32 to vector<16xf32>
      %broadcast_in_dim3A_218 = vector.broadcast %jit3A_216 : f32 to vector<16xf32>
      %select_n3A_219 = arith.select %eq3A_214, %broadcast_in_dim3A_217, %broadcast_in_dim3A_218 : vector<16xi1>, vector<16xf32>
      %min3A_220 = arith.minimumf %min3A_213, %select_n3A_219 : vector<16xf32>
      %eq3A_221 = arith.cmpf oeq, %select_n3A_165, %max3A_190 : vector<16xf32>
      %jit3A_222 = arith.constant 4.000000e+00 : f32
      %jit3A_223 = arith.constant 8.000000e+00 : f32
      %broadcast_in_dim3A_224 = vector.broadcast %jit3A_222 : f32 to vector<16xf32>
      %broadcast_in_dim3A_225 = vector.broadcast %jit3A_223 : f32 to vector<16xf32>
      %select_n3A_226 = arith.select %eq3A_221, %broadcast_in_dim3A_224, %broadcast_in_dim3A_225 : vector<16xi1>, vector<16xf32>
      %min3A_227 = arith.minimumf %min3A_220, %select_n3A_226 : vector<16xf32>
      %eq3A_228 = arith.cmpf oeq, %select_n3A_171, %max3A_190 : vector<16xf32>
      %jit3A_229 = arith.constant 5.000000e+00 : f32
      %jit3A_230 = arith.constant 8.000000e+00 : f32
      %broadcast_in_dim3A_231 = vector.broadcast %jit3A_229 : f32 to vector<16xf32>
      %broadcast_in_dim3A_232 = vector.broadcast %jit3A_230 : f32 to vector<16xf32>
      %select_n3A_233 = arith.select %eq3A_228, %broadcast_in_dim3A_231, %broadcast_in_dim3A_232 : vector<16xi1>, vector<16xf32>
      %min3A_234 = arith.minimumf %min3A_227, %select_n3A_233 : vector<16xf32>
      %eq3A_235 = arith.cmpf oeq, %select_n3A_177, %max3A_190 : vector<16xf32>
      %jit3A_236 = arith.constant 6.000000e+00 : f32
      %jit3A_237 = arith.constant 8.000000e+00 : f32
      %broadcast_in_dim3A_238 = vector.broadcast %jit3A_236 : f32 to vector<16xf32>
      %broadcast_in_dim3A_239 = vector.broadcast %jit3A_237 : f32 to vector<16xf32>
      %select_n3A_240 = arith.select %eq3A_235, %broadcast_in_dim3A_238, %broadcast_in_dim3A_239 : vector<16xi1>, vector<16xf32>
      %min3A_241 = arith.minimumf %min3A_234, %select_n3A_240 : vector<16xf32>
      %eq3A_242 = arith.cmpf oeq, %select_n3A_183, %max3A_190 : vector<16xf32>
      %jit3A_243 = arith.constant 7.000000e+00 : f32
      %jit3A_244 = arith.constant 8.000000e+00 : f32
      %broadcast_in_dim3A_245 = vector.broadcast %jit3A_243 : f32 to vector<16xf32>
      %broadcast_in_dim3A_246 = vector.broadcast %jit3A_244 : f32 to vector<16xf32>
      %select_n3A_247 = arith.select %eq3A_242, %broadcast_in_dim3A_245, %broadcast_in_dim3A_246 : vector<16xi1>, vector<16xf32>
      %min3A_248 = arith.minimumf %min3A_241, %select_n3A_247 : vector<16xf32>
      %add3A_249 = arith.addf %max3A_82, %max3A_190 : vector<16xf32>
      %add3A_250 = arith.constant 9.99999971E-10 : f32
      %add3A_251 = vector.broadcast %add3A_250 : f32 to vector<16xf32>
      %add3A_252 = arith.addf %add3A_249, %add3A_251 : vector<16xf32>
      %eq3A_253 = arith.constant 0.000000e+00 : f32
      %eq3A_254 = vector.broadcast %eq3A_253 : f32 to vector<16xf32>
      %eq3A_255 = arith.cmpf oeq, %min3A_135, %eq3A_254 : vector<16xf32>
      %jit3A_256 = arith.constant 0.000000e+00 : f32
      %broadcast_in_dim3A_257 = vector.broadcast %jit3A_256 : f32 to vector<16xf32>
      %select_n3A_258 = arith.select %eq3A_255, %div3A, %broadcast_in_dim3A_257 : vector<16xi1>, vector<16xf32>
      %eq3A_259 = arith.constant 0.000000e+00 : f32
      %eq3A_260 = vector.broadcast %eq3A_259 : f32 to vector<16xf32>
      %eq3A_261 = arith.cmpf oeq, %min3A_248, %eq3A_260 : vector<16xf32>
      %jit3A_262 = arith.constant 0.000000e+00 : f32
      %broadcast_in_dim3A_263 = vector.broadcast %jit3A_262 : f32 to vector<16xf32>
      %select_n3A_264 = arith.select %eq3A_261, %div3A, %broadcast_in_dim3A_263 : vector<16xi1>, vector<16xf32>
      %add3A_265 = arith.addf %select_n3A_258, %select_n3A_264 : vector<16xf32>
      %div3A_266 = arith.divf %add3A_265, %add3A_252 : vector<16xf32>
      %swap3A = arith.constant 0 : i32
      %swap3A_267 = arith.index_cast %swap3A : i32 to index
      %swap3A_268 = arith.constant 0 : index
      %swap3A_269 = tpu.vector_load %arg5[%swap3A_267, %swap3A_268] {strides = array<i32>} : memref<8x16xf32, #tpu.memory_space<vmem>>, vector<1x16xf32>,
      %swap3A_270 = vector.shape_cast %swap3A_269 : vector<1x16xf32> to vector<16xf32>
      %swap3A_271 = vector.shape_cast %div3A_266 : vector<16xf32> to vector<1x16xf32>
      tpu.vector_store %arg5[%swap3A_267, %swap3A_268], %swap3A_271 {strides = array<i32>} : memref<8x16xf32, #tpu.memory_space<vmem>>, vector<1x16xf32>,
      %eq3A_272 = arith.constant 1.000000e+00 : f32
      %eq3A_273 = vector.broadcast %eq3A_272 : f32 to vector<16xf32>
      %eq3A_274 = arith.cmpf oeq, %min3A_135, %eq3A_273 : vector<16xf32>
      %jit3A_275 = arith.constant 0.000000e+00 : f32
      %broadcast_in_dim3A_276 = vector.broadcast %jit3A_275 : f32 to vector<16xf32>
      %select_n3A_277 = arith.select %eq3A_274, %div3A_69, %broadcast_in_dim3A_276 : vector<16xi1>, vector<16xf32>
      %eq3A_278 = arith.constant 1.000000e+00 : f32
      %eq3A_279 = vector.broadcast %eq3A_278 : f32 to vector<16xf32>
      %eq3A_280 = arith.cmpf oeq, %min3A_248, %eq3A_279 : vector<16xf32>
      %jit3A_281 = arith.constant 0.000000e+00 : f32
      %broadcast_in_dim3A_282 = vector.broadcast %jit3A_281 : f32 to vector<16xf32>
      %select_n3A_283 = arith.select %eq3A_280, %div3A_69, %broadcast_in_dim3A_282 : vector<16xi1>, vector<16xf32>
      %add3A_284 = arith.addf %select_n3A_277, %select_n3A_283 : vector<16xf32>
      %div3A_285 = arith.divf %add3A_284, %add3A_252 : vector<16xf32>
      %swap3A_286 = arith.constant 1 : i32
      %swap3A_287 = arith.index_cast %swap3A_286 : i32 to index
      %swap3A_288 = arith.constant 0 : index
      %swap3A_289 = tpu.vector_load %arg5[%swap3A_287, %swap3A_288] {strides = array<i32>} : memref<8x16xf32, #tpu.memory_space<vmem>>, vector<1x16xf32>,
      %swap3A_290 = vector.shape_cast %swap3A_289 : vector<1x16xf32> to vector<16xf32>
      %swap3A_291 = vector.shape_cast %div3A_285 : vector<16xf32> to vector<1x16xf32>
      tpu.vector_store %arg5[%swap3A_287, %swap3A_288], %swap3A_291 {strides = array<i32>} : memref<8x16xf32, #tpu.memory_space<vmem>>, vector<1x16xf32>,
      %eq3A_292 = arith.constant 2.000000e+00 : f32
      %eq3A_293 = vector.broadcast %eq3A_292 : f32 to vector<16xf32>
      %eq3A_294 = arith.cmpf oeq, %min3A_135, %eq3A_293 : vector<16xf32>
      %jit3A_295 = arith.constant 0.000000e+00 : f32
      %broadcast_in_dim3A_296 = vector.broadcast %jit3A_295 : f32 to vector<16xf32>
      %select_n3A_297 = arith.select %eq3A_294, %div3A_70, %broadcast_in_dim3A_296 : vector<16xi1>, vector<16xf32>
      %eq3A_298 = arith.constant 2.000000e+00 : f32
      %eq3A_299 = vector.broadcast %eq3A_298 : f32 to vector<16xf32>
      %eq3A_300 = arith.cmpf oeq, %min3A_248, %eq3A_299 : vector<16xf32>
      %jit3A_301 = arith.constant 0.000000e+00 : f32
      %broadcast_in_dim3A_302 = vector.broadcast %jit3A_301 : f32 to vector<16xf32>
      %select_n3A_303 = arith.select %eq3A_300, %div3A_70, %broadcast_in_dim3A_302 : vector<16xi1>, vector<16xf32>
      %add3A_304 = arith.addf %select_n3A_297, %select_n3A_303 : vector<16xf32>
      %div3A_305 = arith.divf %add3A_304, %add3A_252 : vector<16xf32>
      %swap3A_306 = arith.constant 2 : i32
      %swap3A_307 = arith.index_cast %swap3A_306 : i32 to index
      %swap3A_308 = arith.constant 0 : index
      %swap3A_309 = tpu.vector_load %arg5[%swap3A_307, %swap3A_308] {strides = array<i32>} : memref<8x16xf32, #tpu.memory_space<vmem>>, vector<1x16xf32>,
      %swap3A_310 = vector.shape_cast %swap3A_309 : vector<1x16xf32> to vector<16xf32>
      %swap3A_311 = vector.shape_cast %div3A_305 : vector<16xf32> to vector<1x16xf32>
      tpu.vector_store %arg5[%swap3A_307, %swap3A_308], %swap3A_311 {strides = array<i32>} : memref<8x16xf32, #tpu.memory_space<vmem>>, vector<1x16xf32>,
      %eq3A_312 = arith.constant 3.000000e+00 : f32
      %eq3A_313 = vector.broadcast %eq3A_312 : f32 to vector<16xf32>
      %eq3A_314 = arith.cmpf oeq, %min3A_135, %eq3A_313 : vector<16xf32>
      %jit3A_315 = arith.constant 0.000000e+00 : f32
      %broadcast_in_dim3A_316 = vector.broadcast %jit3A_315 : f32 to vector<16xf32>
      %select_n3A_317 = arith.select %eq3A_314, %div3A_71, %broadcast_in_dim3A_316 : vector<16xi1>, vector<16xf32>
      %eq3A_318 = arith.constant 3.000000e+00 : f32
      %eq3A_319 = vector.broadcast %eq3A_318 : f32 to vector<16xf32>
      %eq3A_320 = arith.cmpf oeq, %min3A_248, %eq3A_319 : vector<16xf32>
      %jit3A_321 = arith.constant 0.000000e+00 : f32
      %broadcast_in_dim3A_322 = vector.broadcast %jit3A_321 : f32 to vector<16xf32>
      %select_n3A_323 = arith.select %eq3A_320, %div3A_71, %broadcast_in_dim3A_322 : vector<16xi1>, vector<16xf32>
      %add3A_324 = arith.addf %select_n3A_317, %select_n3A_323 : vector<16xf32>
      %div3A_325 = arith.divf %add3A_324, %add3A_252 : vector<16xf32>
      %swap3A_326 = arith.constant 3 : i32
      %swap3A_327 = arith.index_cast %swap3A_326 : i32 to index
      %swap3A_328 = arith.constant 0 : index
      %swap3A_329 = tpu.vector_load %arg5[%swap3A_327, %swap3A_328] {strides = array<i32>} : memref<8x16xf32, #tpu.memory_space<vmem>>, vector<1x16xf32>,
      %swap3A_330 = vector.shape_cast %swap3A_329 : vector<1x16xf32> to vector<16xf32>
      %swap3A_331 = vector.shape_cast %div3A_325 : vector<16xf32> to vector<1x16xf32>
      tpu.vector_store %arg5[%swap3A_327, %swap3A_328], %swap3A_331 {strides = array<i32>} : memref<8x16xf32, #tpu.memory_space<vmem>>, vector<1x16xf32>,
      %eq3A_332 = arith.constant 4.000000e+00 : f32
      %eq3A_333 = vector.broadcast %eq3A_332 : f32 to vector<16xf32>
      %eq3A_334 = arith.cmpf oeq, %min3A_135, %eq3A_333 : vector<16xf32>
      %jit3A_335 = arith.constant 0.000000e+00 : f32
      %broadcast_in_dim3A_336 = vector.broadcast %jit3A_335 : f32 to vector<16xf32>
      %select_n3A_337 = arith.select %eq3A_334, %div3A_72, %broadcast_in_dim3A_336 : vector<16xi1>, vector<16xf32>
      %eq3A_338 = arith.constant 4.000000e+00 : f32
      %eq3A_339 = vector.broadcast %eq3A_338 : f32 to vector<16xf32>
      %eq3A_340 = arith.cmpf oeq, %min3A_248, %eq3A_339 : vector<16xf32>
      %jit3A_341 = arith.constant 0.000000e+00 : f32
      %broadcast_in_dim3A_342 = vector.broadcast %jit3A_341 : f32 to vector<16xf32>
      %select_n3A_343 = arith.select %eq3A_340, %div3A_72, %broadcast_in_dim3A_342 : vector<16xi1>, vector<16xf32>
      %add3A_344 = arith.addf %select_n3A_337, %select_n3A_343 : vector<16xf32>
      %div3A_345 = arith.divf %add3A_344, %add3A_252 : vector<16xf32>
      %swap3A_346 = arith.constant 4 : i32
      %swap3A_347 = arith.index_cast %swap3A_346 : i32 to index
      %swap3A_348 = arith.constant 0 : index
      %swap3A_349 = tpu.vector_load %arg5[%swap3A_347, %swap3A_348] {strides = array<i32>} : memref<8x16xf32, #tpu.memory_space<vmem>>, vector<1x16xf32>,
      %swap3A_350 = vector.shape_cast %swap3A_349 : vector<1x16xf32> to vector<16xf32>
      %swap3A_351 = vector.shape_cast %div3A_345 : vector<16xf32> to vector<1x16xf32>
      tpu.vector_store %arg5[%swap3A_347, %swap3A_348], %swap3A_351 {strides = array<i32>} : memref<8x16xf32, #tpu.memory_space<vmem>>, vector<1x16xf32>,
      %eq3A_352 = arith.constant 5.000000e+00 : f32
      %eq3A_353 = vector.broadcast %eq3A_352 : f32 to vector<16xf32>
      %eq3A_354 = arith.cmpf oeq, %min3A_135, %eq3A_353 : vector<16xf32>
      %jit3A_355 = arith.constant 0.000000e+00 : f32
      %broadcast_in_dim3A_356 = vector.broadcast %jit3A_355 : f32 to vector<16xf32>
      %select_n3A_357 = arith.select %eq3A_354, %div3A_73, %broadcast_in_dim3A_356 : vector<16xi1>, vector<16xf32>
      %eq3A_358 = arith.constant 5.000000e+00 : f32
      %eq3A_359 = vector.broadcast %eq3A_358 : f32 to vector<16xf32>
      %eq3A_360 = arith.cmpf oeq, %min3A_248, %eq3A_359 : vector<16xf32>
      %jit3A_361 = arith.constant 0.000000e+00 : f32
      %broadcast_in_dim3A_362 = vector.broadcast %jit3A_361 : f32 to vector<16xf32>
      %select_n3A_363 = arith.select %eq3A_360, %div3A_73, %broadcast_in_dim3A_362 : vector<16xi1>, vector<16xf32>
      %add3A_364 = arith.addf %select_n3A_357, %select_n3A_363 : vector<16xf32>
      %div3A_365 = arith.divf %add3A_364, %add3A_252 : vector<16xf32>
      %swap3A_366 = arith.constant 5 : i32
      %swap3A_367 = arith.index_cast %swap3A_366 : i32 to index
      %swap3A_368 = arith.constant 0 : index
      %swap3A_369 = tpu.vector_load %arg5[%swap3A_367, %swap3A_368] {strides = array<i32>} : memref<8x16xf32, #tpu.memory_space<vmem>>, vector<1x16xf32>,
      %swap3A_370 = vector.shape_cast %swap3A_369 : vector<1x16xf32> to vector<16xf32>
      %swap3A_371 = vector.shape_cast %div3A_365 : vector<16xf32> to vector<1x16xf32>
      tpu.vector_store %arg5[%swap3A_367, %swap3A_368], %swap3A_371 {strides = array<i32>} : memref<8x16xf32, #tpu.memory_space<vmem>>, vector<1x16xf32>,
      %eq3A_372 = arith.constant 6.000000e+00 : f32
      %eq3A_373 = vector.broadcast %eq3A_372 : f32 to vector<16xf32>
      %eq3A_374 = arith.cmpf oeq, %min3A_135, %eq3A_373 : vector<16xf32>
      %jit3A_375 = arith.constant 0.000000e+00 : f32
      %broadcast_in_dim3A_376 = vector.broadcast %jit3A_375 : f32 to vector<16xf32>
      %select_n3A_377 = arith.select %eq3A_374, %div3A_74, %broadcast_in_dim3A_376 : vector<16xi1>, vector<16xf32>
      %eq3A_378 = arith.constant 6.000000e+00 : f32
      %eq3A_379 = vector.broadcast %eq3A_378 : f32 to vector<16xf32>
      %eq3A_380 = arith.cmpf oeq, %min3A_248, %eq3A_379 : vector<16xf32>
      %jit3A_381 = arith.constant 0.000000e+00 : f32
      %broadcast_in_dim3A_382 = vector.broadcast %jit3A_381 : f32 to vector<16xf32>
      %select_n3A_383 = arith.select %eq3A_380, %div3A_74, %broadcast_in_dim3A_382 : vector<16xi1>, vector<16xf32>
      %add3A_384 = arith.addf %select_n3A_377, %select_n3A_383 : vector<16xf32>
      %div3A_385 = arith.divf %add3A_384, %add3A_252 : vector<16xf32>
      %swap3A_386 = arith.constant 6 : i32
      %swap3A_387 = arith.index_cast %swap3A_386 : i32 to index
      %swap3A_388 = arith.constant 0 : index
      %swap3A_389 = tpu.vector_load %arg5[%swap3A_387, %swap3A_388] {strides = array<i32>} : memref<8x16xf32, #tpu.memory_space<vmem>>, vector<1x16xf32>,
      %swap3A_390 = vector.shape_cast %swap3A_389 : vector<1x16xf32> to vector<16xf32>
      %swap3A_391 = vector.shape_cast %div3A_385 : vector<16xf32> to vector<1x16xf32>
      tpu.vector_store %arg5[%swap3A_387, %swap3A_388], %swap3A_391 {strides = array<i32>} : memref<8x16xf32, #tpu.memory_space<vmem>>, vector<1x16xf32>,
      %eq3A_392 = arith.constant 7.000000e+00 : f32
      %eq3A_393 = vector.broadcast %eq3A_392 : f32 to vector<16xf32>
      %eq3A_394 = arith.cmpf oeq, %min3A_135, %eq3A_393 : vector<16xf32>
      %jit3A_395 = arith.constant 0.000000e+00 : f32
      %broadcast_in_dim3A_396 = vector.broadcast %jit3A_395 : f32 to vector<16xf32>
      %select_n3A_397 = arith.select %eq3A_394, %div3A_75, %broadcast_in_dim3A_396 : vector<16xi1>, vector<16xf32>
      %eq3A_398 = arith.constant 7.000000e+00 : f32
      %eq3A_399 = vector.broadcast %eq3A_398 : f32 to vector<16xf32>
      %eq3A_400 = arith.cmpf oeq, %min3A_248, %eq3A_399 : vector<16xf32>
      %jit3A_401 = arith.constant 0.000000e+00 : f32
      %broadcast_in_dim3A_402 = vector.broadcast %jit3A_401 : f32 to vector<16xf32>
      %select_n3A_403 = arith.select %eq3A_400, %div3A_75, %broadcast_in_dim3A_402 : vector<16xi1>, vector<16xf32>
      %add3A_404 = arith.addf %select_n3A_397, %select_n3A_403 : vector<16xf32>
      %div3A_405 = arith.divf %add3A_404, %add3A_252 : vector<16xf32>
      %swap3A_406 = arith.constant 7 : i32
      %swap3A_407 = arith.index_cast %swap3A_406 : i32 to index
      %swap3A_408 = arith.constant 0 : index
      %swap3A_409 = tpu.vector_load %arg5[%swap3A_407, %swap3A_408] {strides = array<i32>} : memref<8x16xf32, #tpu.memory_space<vmem>>, vector<1x16xf32>,
      %swap3A_410 = vector.shape_cast %swap3A_409 : vector<1x16xf32> to vector<16xf32>
      %swap3A_411 = vector.shape_cast %div3A_405 : vector<16xf32> to vector<1x16xf32>
      tpu.vector_store %arg5[%swap3A_407, %swap3A_408], %swap3A_411 {strides = array<i32>} : memref<8x16xf32, #tpu.memory_space<vmem>>, vector<1x16xf32>,
      "tpu.region"() ({
        %run_scoped3A = tpu.sem_alloc : memref<!tpu.dma_semaphore, #tpu.memory_space<semaphore_mem>>
        %dma_start3A = arith.constant 0 : i32
        %dma_start3A_412 = arith.constant 0 : i32
        %dma_start3A_413 = tpu.memref_slice %arg3[%add3A, %dma_start3A, %dma_start3A_412] : memref<8x8x16xf32, #tpu.memory_space<hbm>> -> memref<1x8x16xf32, #tpu.memory_space<hbm>>
        %dma_start3A_414 = tpu.memref_squeeze %dma_start3A_413 : memref<1x8x16xf32, #tpu.memory_space<hbm>> -> memref<8x16xf32, #tpu.memory_space<hbm>>
        %dma_start3A_415 = arith.constant 0 : i32
        %dma_start3A_416 = arith.constant 0 : i32
        %dma_start3A_417 = tpu.memref_slice %arg3[%add3A, %dma_start3A_415, %dma_start3A_416] : memref<8x8x16xf32, #tpu.memory_space<hbm>> -> memref<1x8x16xf32, #tpu.memory_space<hbm>>
        %dma_start3A_418 = tpu.memref_squeeze %dma_start3A_417 : memref<1x8x16xf32, #tpu.memory_space<hbm>> -> memref<8x16xf32, #tpu.memory_space<hbm>>
        tpu.enqueue_dma source(%arg5 : memref<8x16xf32, #tpu.memory_space<vmem>>) target(%dma_start3A_418 : memref<8x16xf32, #tpu.memory_space<hbm>>) target_semaphore(%run_scoped3A : memref<!tpu.dma_semaphore, #tpu.memory_space<semaphore_mem>>)
        %dma_wait3A = arith.constant 0 : i32
        %dma_wait3A_419 = arith.constant 0 : i32
        %dma_wait3A_420 = tpu.memref_slice %arg3[%add3A, %dma_wait3A, %dma_wait3A_419] : memref<8x8x16xf32, #tpu.memory_space<hbm>> -> memref<1x8x16xf32, #tpu.memory_space<hbm>>
        %dma_wait3A_421 = tpu.memref_squeeze %dma_wait3A_420 : memref<1x8x16xf32, #tpu.memory_space<hbm>> -> memref<8x16xf32, #tpu.memory_space<hbm>>
        %dma_wait3A_422 = arith.constant 0 : i32
        %dma_wait3A_423 = arith.constant 0 : i32
        %dma_wait3A_424 = tpu.memref_slice %arg3[%add3A, %dma_wait3A_422, %dma_wait3A_423] : memref<8x8x16xf32, #tpu.memory_space<hbm>> -> memref<1x8x16xf32, #tpu.memory_space<hbm>>
        %dma_wait3A_425 = tpu.memref_squeeze %dma_wait3A_424 : memref<1x8x16xf32, #tpu.memory_space<hbm>> -> memref<8x16xf32, #tpu.memory_space<hbm>>
        tpu.wait_dma2 semaphore(%run_scoped3A : memref<!tpu.dma_semaphore, #tpu.memory_space<semaphore_mem>>) src(%arg5 : memref<8x16xf32, #tpu.memory_space<vmem>>) dst(%dma_wait3A_425 : memref<8x16xf32, #tpu.memory_space<hbm>>)
        tpu.yield
      }) : () -> ()
    } else {
    }
    return
  }
}

module attributes {stable_mosaic.version = 14 : i64} {
  func.func @_logits_kernel(%arg0: memref<128x256xf32, #tpu.memory_space<vmem>>, %arg1: memref<8x256xf32, #tpu.memory_space<vmem>>, %arg2: memref<8x8x16xf32, #tpu.memory_space<vmem>>) attributes {dimension_semantics = [], scalar_prefetch = 0 : i64, scratch_operands = 0 : i64, tpu.core_type = #tpu.core_type<tc>} {
    %get3A = arith.constant 0 : index
    %get3A_0 = arith.constant 0 : index
    %get3A_1 = vector.load %arg1[%get3A, %get3A_0] : memref<8x256xf32, #tpu.memory_space<vmem>>, vector<8x256xf32>
    %get3A_2 = arith.constant 0 : index
    %get3A_3 = arith.constant 0 : index
    %get3A_4 = vector.load %arg0[%get3A_2, %get3A_3] : memref<128x256xf32, #tpu.memory_space<vmem>>, vector<128x256xf32>
    %dot_general3A = arith.constant dense<0.000000e+00> : vector<8x128xf32>
    %dot_general3A_5 = tpu.matmul %get3A_1, %get3A_4, %dot_general3A {dimension_numbers = #tpu.dot_dimension_numbers<[1], [1], [0], [0], [0, 0, 1, 0], [], []>, transpose_lhs_hint = false} : vector<8x256xf32>, vector<128x256xf32>, vector<8x128xf32> -> vector<8x128xf32>
    %slice3A = vector.extract_strided_slice %dot_general3A_5 {offsets = [0, 0], sizes = [8, 16], strides = [1, 1]} : vector<8x128xf32> to vector<8x16xf32>
    %swap3A = arith.constant 0 : index
    %swap3A_6 = arith.constant 0 : index
    %swap3A_7 = arith.constant 0 : index
    %swap3A_8 = vector.load %arg2[%swap3A, %swap3A_6, %swap3A_7] : memref<8x8x16xf32, #tpu.memory_space<vmem>>, vector<1x8x16xf32>
    %swap3A_9 = vector.shape_cast %swap3A_8 : vector<1x8x16xf32> to vector<8x16xf32>
    %swap3A_10 = vector.shape_cast %slice3A : vector<8x16xf32> to vector<1x8x16xf32>
    tpu.vector_store %arg2[%swap3A, %swap3A_6, %swap3A_7], %swap3A_10 {strides = array<i32>} : memref<8x8x16xf32, #tpu.memory_space<vmem>>, vector<1x8x16xf32>,
    %slice3A_11 = vector.extract_strided_slice %dot_general3A_5 {offsets = [0, 16], sizes = [8, 16], strides = [1, 1]} : vector<8x128xf32> to vector<8x16xf32>
    %swap3A_12 = arith.constant 1 : index
    %swap3A_13 = arith.constant 0 : index
    %swap3A_14 = arith.constant 0 : index
    %swap3A_15 = vector.load %arg2[%swap3A_12, %swap3A_13, %swap3A_14] : memref<8x8x16xf32, #tpu.memory_space<vmem>>, vector<1x8x16xf32>
    %swap3A_16 = vector.shape_cast %swap3A_15 : vector<1x8x16xf32> to vector<8x16xf32>
    %swap3A_17 = vector.shape_cast %slice3A_11 : vector<8x16xf32> to vector<1x8x16xf32>
    tpu.vector_store %arg2[%swap3A_12, %swap3A_13, %swap3A_14], %swap3A_17 {strides = array<i32>} : memref<8x8x16xf32, #tpu.memory_space<vmem>>, vector<1x8x16xf32>,
    %slice3A_18 = vector.extract_strided_slice %dot_general3A_5 {offsets = [0, 32], sizes = [8, 16], strides = [1, 1]} : vector<8x128xf32> to vector<8x16xf32>
    %swap3A_19 = arith.constant 2 : index
    %swap3A_20 = arith.constant 0 : index
    %swap3A_21 = arith.constant 0 : index
    %swap3A_22 = vector.load %arg2[%swap3A_19, %swap3A_20, %swap3A_21] : memref<8x8x16xf32, #tpu.memory_space<vmem>>, vector<1x8x16xf32>
    %swap3A_23 = vector.shape_cast %swap3A_22 : vector<1x8x16xf32> to vector<8x16xf32>
    %swap3A_24 = vector.shape_cast %slice3A_18 : vector<8x16xf32> to vector<1x8x16xf32>
    tpu.vector_store %arg2[%swap3A_19, %swap3A_20, %swap3A_21], %swap3A_24 {strides = array<i32>} : memref<8x8x16xf32, #tpu.memory_space<vmem>>, vector<1x8x16xf32>,
    %slice3A_25 = vector.extract_strided_slice %dot_general3A_5 {offsets = [0, 48], sizes = [8, 16], strides = [1, 1]} : vector<8x128xf32> to vector<8x16xf32>
    %swap3A_26 = arith.constant 3 : index
    %swap3A_27 = arith.constant 0 : index
    %swap3A_28 = arith.constant 0 : index
    %swap3A_29 = vector.load %arg2[%swap3A_26, %swap3A_27, %swap3A_28] : memref<8x8x16xf32, #tpu.memory_space<vmem>>, vector<1x8x16xf32>
    %swap3A_30 = vector.shape_cast %swap3A_29 : vector<1x8x16xf32> to vector<8x16xf32>
    %swap3A_31 = vector.shape_cast %slice3A_25 : vector<8x16xf32> to vector<1x8x16xf32>
    tpu.vector_store %arg2[%swap3A_26, %swap3A_27, %swap3A_28], %swap3A_31 {strides = array<i32>} : memref<8x8x16xf32, #tpu.memory_space<vmem>>, vector<1x8x16xf32>,
    %slice3A_32 = vector.extract_strided_slice %dot_general3A_5 {offsets = [0, 64], sizes = [8, 16], strides = [1, 1]} : vector<8x128xf32> to vector<8x16xf32>
    %swap3A_33 = arith.constant 4 : index
    %swap3A_34 = arith.constant 0 : index
    %swap3A_35 = arith.constant 0 : index
    %swap3A_36 = vector.load %arg2[%swap3A_33, %swap3A_34, %swap3A_35] : memref<8x8x16xf32, #tpu.memory_space<vmem>>, vector<1x8x16xf32>
    %swap3A_37 = vector.shape_cast %swap3A_36 : vector<1x8x16xf32> to vector<8x16xf32>
    %swap3A_38 = vector.shape_cast %slice3A_32 : vector<8x16xf32> to vector<1x8x16xf32>
    tpu.vector_store %arg2[%swap3A_33, %swap3A_34, %swap3A_35], %swap3A_38 {strides = array<i32>} : memref<8x8x16xf32, #tpu.memory_space<vmem>>, vector<1x8x16xf32>,
    %slice3A_39 = vector.extract_strided_slice %dot_general3A_5 {offsets = [0, 80], sizes = [8, 16], strides = [1, 1]} : vector<8x128xf32> to vector<8x16xf32>
    %swap3A_40 = arith.constant 5 : index
    %swap3A_41 = arith.constant 0 : index
    %swap3A_42 = arith.constant 0 : index
    %swap3A_43 = vector.load %arg2[%swap3A_40, %swap3A_41, %swap3A_42] : memref<8x8x16xf32, #tpu.memory_space<vmem>>, vector<1x8x16xf32>
    %swap3A_44 = vector.shape_cast %swap3A_43 : vector<1x8x16xf32> to vector<8x16xf32>
    %swap3A_45 = vector.shape_cast %slice3A_39 : vector<8x16xf32> to vector<1x8x16xf32>
    tpu.vector_store %arg2[%swap3A_40, %swap3A_41, %swap3A_42], %swap3A_45 {strides = array<i32>} : memref<8x8x16xf32, #tpu.memory_space<vmem>>, vector<1x8x16xf32>,
    %slice3A_46 = vector.extract_strided_slice %dot_general3A_5 {offsets = [0, 96], sizes = [8, 16], strides = [1, 1]} : vector<8x128xf32> to vector<8x16xf32>
    %swap3A_47 = arith.constant 6 : index
    %swap3A_48 = arith.constant 0 : index
    %swap3A_49 = arith.constant 0 : index
    %swap3A_50 = vector.load %arg2[%swap3A_47, %swap3A_48, %swap3A_49] : memref<8x8x16xf32, #tpu.memory_space<vmem>>, vector<1x8x16xf32>
    %swap3A_51 = vector.shape_cast %swap3A_50 : vector<1x8x16xf32> to vector<8x16xf32>
    %swap3A_52 = vector.shape_cast %slice3A_46 : vector<8x16xf32> to vector<1x8x16xf32>
    tpu.vector_store %arg2[%swap3A_47, %swap3A_48, %swap3A_49], %swap3A_52 {strides = array<i32>} : memref<8x8x16xf32, #tpu.memory_space<vmem>>, vector<1x8x16xf32>,
    %slice3A_53 = vector.extract_strided_slice %dot_general3A_5 {offsets = [0, 112], sizes = [8, 16], strides = [1, 1]} : vector<8x128xf32> to vector<8x16xf32>
    %swap3A_54 = arith.constant 7 : index
    %swap3A_55 = arith.constant 0 : index
    %swap3A_56 = arith.constant 0 : index
    %swap3A_57 = vector.load %arg2[%swap3A_54, %swap3A_55, %swap3A_56] : memref<8x8x16xf32, #tpu.memory_space<vmem>>, vector<1x8x16xf32>
    %swap3A_58 = vector.shape_cast %swap3A_57 : vector<1x8x16xf32> to vector<8x16xf32>
    %swap3A_59 = vector.shape_cast %slice3A_53 : vector<8x16xf32> to vector<1x8x16xf32>
    tpu.vector_store %arg2[%swap3A_54, %swap3A_55, %swap3A_56], %swap3A_59 {strides = array<i32>} : memref<8x8x16xf32, #tpu.memory_space<vmem>>, vector<1x8x16xf32>,
    return
  }
}

module attributes {stable_mosaic.version = 14 : i64} {
  func.func @_combine_kernel(%arg0: memref<8x128x256xf32, #tpu.memory_space<vmem>>, %arg1: memref<128x8xf32, #tpu.memory_space<vmem>>, %arg2: memref<128x256xf32, #tpu.memory_space<vmem>>) attributes {dimension_semantics = [], scalar_prefetch = 0 : i64, scratch_operands = 0 : i64, tpu.core_type = #tpu.core_type<tc>} {
    %get3A = arith.constant 0 : index
    %get3A_0 = arith.constant 0 : index
    %get3A_1 = vector.load %arg1[%get3A, %get3A_0] : memref<128x8xf32, #tpu.memory_space<vmem>>, vector<128x8xf32>
    %slice3A = vector.extract_strided_slice %get3A_1 {offsets = [0, 0], sizes = [128, 1], strides = [1, 1]} : vector<128x8xf32> to vector<128x1xf32>
    %get3A_2 = arith.constant 0 : index
    %get3A_3 = arith.constant 0 : index
    %get3A_4 = arith.constant 0 : index
    %get3A_5 = vector.load %arg0[%get3A_2, %get3A_3, %get3A_4] : memref<8x128x256xf32, #tpu.memory_space<vmem>>, vector<1x128x256xf32>
    %get3A_6 = vector.shape_cast %get3A_5 : vector<1x128x256xf32> to vector<128x256xf32>
    %mul3A = vector.broadcast %slice3A : vector<128x1xf32> to vector<128x256xf32>
    %mul3A_7 = arith.mulf %mul3A, %get3A_6 : vector<128x256xf32>
    %slice3A_8 = vector.extract_strided_slice %get3A_1 {offsets = [0, 1], sizes = [128, 1], strides = [1, 1]} : vector<128x8xf32> to vector<128x1xf32>
    %get3A_9 = arith.constant 1 : index
    %get3A_10 = arith.constant 0 : index
    %get3A_11 = arith.constant 0 : index
    %get3A_12 = vector.load %arg0[%get3A_9, %get3A_10, %get3A_11] : memref<8x128x256xf32, #tpu.memory_space<vmem>>, vector<1x128x256xf32>
    %get3A_13 = vector.shape_cast %get3A_12 : vector<1x128x256xf32> to vector<128x256xf32>
    %mul3A_14 = vector.broadcast %slice3A_8 : vector<128x1xf32> to vector<128x256xf32>
    %mul3A_15 = arith.mulf %mul3A_14, %get3A_13 : vector<128x256xf32>
    %add3A = arith.addf %mul3A_7, %mul3A_15 : vector<128x256xf32>
    %slice3A_16 = vector.extract_strided_slice %get3A_1 {offsets = [0, 2], sizes = [128, 1], strides = [1, 1]} : vector<128x8xf32> to vector<128x1xf32>
    %get3A_17 = arith.constant 2 : index
    %get3A_18 = arith.constant 0 : index
    %get3A_19 = arith.constant 0 : index
    %get3A_20 = vector.load %arg0[%get3A_17, %get3A_18, %get3A_19] : memref<8x128x256xf32, #tpu.memory_space<vmem>>, vector<1x128x256xf32>
    %get3A_21 = vector.shape_cast %get3A_20 : vector<1x128x256xf32> to vector<128x256xf32>
    %mul3A_22 = vector.broadcast %slice3A_16 : vector<128x1xf32> to vector<128x256xf32>
    %mul3A_23 = arith.mulf %mul3A_22, %get3A_21 : vector<128x256xf32>
    %add3A_24 = arith.addf %add3A, %mul3A_23 : vector<128x256xf32>
    %slice3A_25 = vector.extract_strided_slice %get3A_1 {offsets = [0, 3], sizes = [128, 1], strides = [1, 1]} : vector<128x8xf32> to vector<128x1xf32>
    %get3A_26 = arith.constant 3 : index
    %get3A_27 = arith.constant 0 : index
    %get3A_28 = arith.constant 0 : index
    %get3A_29 = vector.load %arg0[%get3A_26, %get3A_27, %get3A_28] : memref<8x128x256xf32, #tpu.memory_space<vmem>>, vector<1x128x256xf32>
    %get3A_30 = vector.shape_cast %get3A_29 : vector<1x128x256xf32> to vector<128x256xf32>
    %mul3A_31 = vector.broadcast %slice3A_25 : vector<128x1xf32> to vector<128x256xf32>
    %mul3A_32 = arith.mulf %mul3A_31, %get3A_30 : vector<128x256xf32>
    %add3A_33 = arith.addf %add3A_24, %mul3A_32 : vector<128x256xf32>
    %slice3A_34 = vector.extract_strided_slice %get3A_1 {offsets = [0, 4], sizes = [128, 1], strides = [1, 1]} : vector<128x8xf32> to vector<128x1xf32>
    %get3A_35 = arith.constant 4 : index
    %get3A_36 = arith.constant 0 : index
    %get3A_37 = arith.constant 0 : index
    %get3A_38 = vector.load %arg0[%get3A_35, %get3A_36, %get3A_37] : memref<8x128x256xf32, #tpu.memory_space<vmem>>, vector<1x128x256xf32>
    %get3A_39 = vector.shape_cast %get3A_38 : vector<1x128x256xf32> to vector<128x256xf32>
    %mul3A_40 = vector.broadcast %slice3A_34 : vector<128x1xf32> to vector<128x256xf32>
    %mul3A_41 = arith.mulf %mul3A_40, %get3A_39 : vector<128x256xf32>
    %add3A_42 = arith.addf %add3A_33, %mul3A_41 : vector<128x256xf32>
    %slice3A_43 = vector.extract_strided_slice %get3A_1 {offsets = [0, 5], sizes = [128, 1], strides = [1, 1]} : vector<128x8xf32> to vector<128x1xf32>
    %get3A_44 = arith.constant 5 : index
    %get3A_45 = arith.constant 0 : index
    %get3A_46 = arith.constant 0 : index
    %get3A_47 = vector.load %arg0[%get3A_44, %get3A_45, %get3A_46] : memref<8x128x256xf32, #tpu.memory_space<vmem>>, vector<1x128x256xf32>
    %get3A_48 = vector.shape_cast %get3A_47 : vector<1x128x256xf32> to vector<128x256xf32>
    %mul3A_49 = vector.broadcast %slice3A_43 : vector<128x1xf32> to vector<128x256xf32>
    %mul3A_50 = arith.mulf %mul3A_49, %get3A_48 : vector<128x256xf32>
    %add3A_51 = arith.addf %add3A_42, %mul3A_50 : vector<128x256xf32>
    %slice3A_52 = vector.extract_strided_slice %get3A_1 {offsets = [0, 6], sizes = [128, 1], strides = [1, 1]} : vector<128x8xf32> to vector<128x1xf32>
    %get3A_53 = arith.constant 6 : index
    %get3A_54 = arith.constant 0 : index
    %get3A_55 = arith.constant 0 : index
    %get3A_56 = vector.load %arg0[%get3A_53, %get3A_54, %get3A_55] : memref<8x128x256xf32, #tpu.memory_space<vmem>>, vector<1x128x256xf32>
    %get3A_57 = vector.shape_cast %get3A_56 : vector<1x128x256xf32> to vector<128x256xf32>
    %mul3A_58 = vector.broadcast %slice3A_52 : vector<128x1xf32> to vector<128x256xf32>
    %mul3A_59 = arith.mulf %mul3A_58, %get3A_57 : vector<128x256xf32>
    %add3A_60 = arith.addf %add3A_51, %mul3A_59 : vector<128x256xf32>
    %slice3A_61 = vector.extract_strided_slice %get3A_1 {offsets = [0, 7], sizes = [128, 1], strides = [1, 1]} : vector<128x8xf32> to vector<128x1xf32>
    %get3A_62 = arith.constant 7 : index
    %get3A_63 = arith.constant 0 : index
    %get3A_64 = arith.constant 0 : index
    %get3A_65 = vector.load %arg0[%get3A_62, %get3A_63, %get3A_64] : memref<8x128x256xf32, #tpu.memory_space<vmem>>, vector<1x128x256xf32>
    %get3A_66 = vector.shape_cast %get3A_65 : vector<1x128x256xf32> to vector<128x256xf32>
    %mul3A_67 = vector.broadcast %slice3A_61 : vector<128x1xf32> to vector<128x256xf32>
    %mul3A_68 = arith.mulf %mul3A_67, %get3A_66 : vector<128x256xf32>
    %add3A_69 = arith.addf %add3A_60, %mul3A_68 : vector<128x256xf32>
    %swap3A = arith.constant 0 : index
    %swap3A_70 = arith.constant 0 : index
    %swap3A_71 = vector.load %arg2[%swap3A, %swap3A_70] : memref<128x256xf32, #tpu.memory_space<vmem>>, vector<128x256xf32>
    tpu.vector_store %arg2[%swap3A, %swap3A_70], %add3A_69 {strides = array<i32>} : memref<128x256xf32, #tpu.memory_space<vmem>>, vector<128x256xf32>,
    return
  }
}

module attributes {stable_mosaic.version = 14 : i64} {
  func.func @_experts_kernel(%arg0: memref<128x256xf32, #tpu.memory_space<vmem>>, %arg1: memref<8x1024xf32, #tpu.memory_space<vmem>>, %arg2: memref<8x256xf32, #tpu.memory_space<vmem>>, %arg3: memref<8x1024x256xf32, #tpu.memory_space<any>>, %arg4: memref<8x256x1024xf32, #tpu.memory_space<any>>, %arg5: memref<8x128x256xf32, #tpu.memory_space<vmem>>, %arg6: memref<8x1024x256xf32, #tpu.memory_space<vmem>>, %arg7: memref<8x256x1024xf32, #tpu.memory_space<vmem>>, %arg8: memref<4x!tpu.dma_semaphore, #tpu.memory_space<semaphore_mem>>, %arg9: memref<4x!tpu.dma_semaphore, #tpu.memory_space<semaphore_mem>>) attributes {dimension_semantics = [], scalar_prefetch = 0 : i64, scratch_operands = 4 : i64, tpu.core_type = #tpu.core_type<tc>} {
    %dma_start3A = arith.constant 0 : i32
    %dma_start3A_0 = tpu.memref_slice %arg8[%dma_start3A] : memref<4x!tpu.dma_semaphore, #tpu.memory_space<semaphore_mem>> -> memref<1x!tpu.dma_semaphore, #tpu.memory_space<semaphore_mem>>
    %dma_start3A_1 = tpu.memref_squeeze %dma_start3A_0 : memref<1x!tpu.dma_semaphore, #tpu.memory_space<semaphore_mem>> -> memref<!tpu.dma_semaphore, #tpu.memory_space<semaphore_mem>>
    %dma_start3A_2 = arith.constant 0 : i32
    %dma_start3A_3 = arith.constant 0 : i32
    %dma_start3A_4 = arith.constant 0 : i32
    %dma_start3A_5 = tpu.memref_slice %arg6[%dma_start3A_2, %dma_start3A_3, %dma_start3A_4] : memref<8x1024x256xf32, #tpu.memory_space<vmem>> -> memref<2x1024x256xf32, #tpu.memory_space<vmem>>
    %dma_start3A_6 = arith.constant 0 : i32
    %dma_start3A_7 = arith.constant 0 : i32
    %dma_start3A_8 = arith.constant 0 : i32
    %dma_start3A_9 = tpu.memref_slice %arg3[%dma_start3A_6, %dma_start3A_7, %dma_start3A_8] : memref<8x1024x256xf32, #tpu.memory_space<any>> -> memref<2x1024x256xf32, #tpu.memory_space<any>>
    tpu.enqueue_dma source(%dma_start3A_9 : memref<2x1024x256xf32, #tpu.memory_space<any>>) target(%dma_start3A_5 : memref<2x1024x256xf32, #tpu.memory_space<vmem>>) target_semaphore(%dma_start3A_1 : memref<!tpu.dma_semaphore, #tpu.memory_space<semaphore_mem>>)
    %dma_start3A_10 = arith.constant 0 : i32
    %dma_start3A_11 = tpu.memref_slice %arg9[%dma_start3A_10] : memref<4x!tpu.dma_semaphore, #tpu.memory_space<semaphore_mem>> -> memref<1x!tpu.dma_semaphore, #tpu.memory_space<semaphore_mem>>
    %dma_start3A_12 = tpu.memref_squeeze %dma_start3A_11 : memref<1x!tpu.dma_semaphore, #tpu.memory_space<semaphore_mem>> -> memref<!tpu.dma_semaphore, #tpu.memory_space<semaphore_mem>>
    %dma_start3A_13 = arith.constant 0 : i32
    %dma_start3A_14 = arith.constant 0 : i32
    %dma_start3A_15 = arith.constant 0 : i32
    %dma_start3A_16 = tpu.memref_slice %arg7[%dma_start3A_13, %dma_start3A_14, %dma_start3A_15] : memref<8x256x1024xf32, #tpu.memory_space<vmem>> -> memref<2x256x1024xf32, #tpu.memory_space<vmem>>
    %dma_start3A_17 = arith.constant 0 : i32
    %dma_start3A_18 = arith.constant 0 : i32
    %dma_start3A_19 = arith.constant 0 : i32
    %dma_start3A_20 = tpu.memref_slice %arg4[%dma_start3A_17, %dma_start3A_18, %dma_start3A_19] : memref<8x256x1024xf32, #tpu.memory_space<any>> -> memref<2x256x1024xf32, #tpu.memory_space<any>>
    tpu.enqueue_dma source(%dma_start3A_20 : memref<2x256x1024xf32, #tpu.memory_space<any>>) target(%dma_start3A_16 : memref<2x256x1024xf32, #tpu.memory_space<vmem>>) target_semaphore(%dma_start3A_12 : memref<!tpu.dma_semaphore, #tpu.memory_space<semaphore_mem>>)
    %dma_start3A_21 = arith.constant 1 : i32
    %dma_start3A_22 = tpu.memref_slice %arg8[%dma_start3A_21] : memref<4x!tpu.dma_semaphore, #tpu.memory_space<semaphore_mem>> -> memref<1x!tpu.dma_semaphore, #tpu.memory_space<semaphore_mem>>
    %dma_start3A_23 = tpu.memref_squeeze %dma_start3A_22 : memref<1x!tpu.dma_semaphore, #tpu.memory_space<semaphore_mem>> -> memref<!tpu.dma_semaphore, #tpu.memory_space<semaphore_mem>>
    %dma_start3A_24 = arith.constant 2 : i32
    %dma_start3A_25 = arith.constant 0 : i32
    %dma_start3A_26 = arith.constant 0 : i32
    %dma_start3A_27 = tpu.memref_slice %arg6[%dma_start3A_24, %dma_start3A_25, %dma_start3A_26] : memref<8x1024x256xf32, #tpu.memory_space<vmem>> -> memref<2x1024x256xf32, #tpu.memory_space<vmem>>
    %dma_start3A_28 = arith.constant 2 : i32
    %dma_start3A_29 = arith.constant 0 : i32
    %dma_start3A_30 = arith.constant 0 : i32
    %dma_start3A_31 = tpu.memref_slice %arg3[%dma_start3A_28, %dma_start3A_29, %dma_start3A_30] : memref<8x1024x256xf32, #tpu.memory_space<any>> -> memref<2x1024x256xf32, #tpu.memory_space<any>>
    tpu.enqueue_dma source(%dma_start3A_31 : memref<2x1024x256xf32, #tpu.memory_space<any>>) target(%dma_start3A_27 : memref<2x1024x256xf32, #tpu.memory_space<vmem>>) target_semaphore(%dma_start3A_23 : memref<!tpu.dma_semaphore, #tpu.memory_space<semaphore_mem>>)
    %dma_start3A_32 = arith.constant 1 : i32
    %dma_start3A_33 = tpu.memref_slice %arg9[%dma_start3A_32] : memref<4x!tpu.dma_semaphore, #tpu.memory_space<semaphore_mem>> -> memref<1x!tpu.dma_semaphore, #tpu.memory_space<semaphore_mem>>
    %dma_start3A_34 = tpu.memref_squeeze %dma_start3A_33 : memref<1x!tpu.dma_semaphore, #tpu.memory_space<semaphore_mem>> -> memref<!tpu.dma_semaphore, #tpu.memory_space<semaphore_mem>>
    %dma_start3A_35 = arith.constant 2 : i32
    %dma_start3A_36 = arith.constant 0 : i32
    %dma_start3A_37 = arith.constant 0 : i32
    %dma_start3A_38 = tpu.memref_slice %arg7[%dma_start3A_35, %dma_start3A_36, %dma_start3A_37] : memref<8x256x1024xf32, #tpu.memory_space<vmem>> -> memref<2x256x1024xf32, #tpu.memory_space<vmem>>
    %dma_start3A_39 = arith.constant 2 : i32
    %dma_start3A_40 = arith.constant 0 : i32
    %dma_start3A_41 = arith.constant 0 : i32
    %dma_start3A_42 = tpu.memref_slice %arg4[%dma_start3A_39, %dma_start3A_40, %dma_start3A_41] : memref<8x256x1024xf32, #tpu.memory_space<any>> -> memref<2x256x1024xf32, #tpu.memory_space<any>>
    tpu.enqueue_dma source(%dma_start3A_42 : memref<2x256x1024xf32, #tpu.memory_space<any>>) target(%dma_start3A_38 : memref<2x256x1024xf32, #tpu.memory_space<vmem>>) target_semaphore(%dma_start3A_34 : memref<!tpu.dma_semaphore, #tpu.memory_space<semaphore_mem>>)
    %dma_start3A_43 = arith.constant 2 : i32
    %dma_start3A_44 = tpu.memref_slice %arg8[%dma_start3A_43] : memref<4x!tpu.dma_semaphore, #tpu.memory_space<semaphore_mem>> -> memref<1x!tpu.dma_semaphore, #tpu.memory_space<semaphore_mem>>
    %dma_start3A_45 = tpu.memref_squeeze %dma_start3A_44 : memref<1x!tpu.dma_semaphore, #tpu.memory_space<semaphore_mem>> -> memref<!tpu.dma_semaphore, #tpu.memory_space<semaphore_mem>>
    %dma_start3A_46 = arith.constant 4 : i32
    %dma_start3A_47 = arith.constant 0 : i32
    %dma_start3A_48 = arith.constant 0 : i32
    %dma_start3A_49 = tpu.memref_slice %arg6[%dma_start3A_46, %dma_start3A_47, %dma_start3A_48] : memref<8x1024x256xf32, #tpu.memory_space<vmem>> -> memref<2x1024x256xf32, #tpu.memory_space<vmem>>
    %dma_start3A_50 = arith.constant 4 : i32
    %dma_start3A_51 = arith.constant 0 : i32
    %dma_start3A_52 = arith.constant 0 : i32
    %dma_start3A_53 = tpu.memref_slice %arg3[%dma_start3A_50, %dma_start3A_51, %dma_start3A_52] : memref<8x1024x256xf32, #tpu.memory_space<any>> -> memref<2x1024x256xf32, #tpu.memory_space<any>>
    tpu.enqueue_dma source(%dma_start3A_53 : memref<2x1024x256xf32, #tpu.memory_space<any>>) target(%dma_start3A_49 : memref<2x1024x256xf32, #tpu.memory_space<vmem>>) target_semaphore(%dma_start3A_45 : memref<!tpu.dma_semaphore, #tpu.memory_space<semaphore_mem>>)
    %dma_start3A_54 = arith.constant 2 : i32
    %dma_start3A_55 = tpu.memref_slice %arg9[%dma_start3A_54] : memref<4x!tpu.dma_semaphore, #tpu.memory_space<semaphore_mem>> -> memref<1x!tpu.dma_semaphore, #tpu.memory_space<semaphore_mem>>
    %dma_start3A_56 = tpu.memref_squeeze %dma_start3A_55 : memref<1x!tpu.dma_semaphore, #tpu.memory_space<semaphore_mem>> -> memref<!tpu.dma_semaphore, #tpu.memory_space<semaphore_mem>>
    %dma_start3A_57 = arith.constant 4 : i32
    %dma_start3A_58 = arith.constant 0 : i32
    %dma_start3A_59 = arith.constant 0 : i32
    %dma_start3A_60 = tpu.memref_slice %arg7[%dma_start3A_57, %dma_start3A_58, %dma_start3A_59] : memref<8x256x1024xf32, #tpu.memory_space<vmem>> -> memref<2x256x1024xf32, #tpu.memory_space<vmem>>
    %dma_start3A_61 = arith.constant 4 : i32
    %dma_start3A_62 = arith.constant 0 : i32
    %dma_start3A_63 = arith.constant 0 : i32
    %dma_start3A_64 = tpu.memref_slice %arg4[%dma_start3A_61, %dma_start3A_62, %dma_start3A_63] : memref<8x256x1024xf32, #tpu.memory_space<any>> -> memref<2x256x1024xf32, #tpu.memory_space<any>>
    tpu.enqueue_dma source(%dma_start3A_64 : memref<2x256x1024xf32, #tpu.memory_space<any>>) target(%dma_start3A_60 : memref<2x256x1024xf32, #tpu.memory_space<vmem>>) target_semaphore(%dma_start3A_56 : memref<!tpu.dma_semaphore, #tpu.memory_space<semaphore_mem>>)
    %dma_start3A_65 = arith.constant 3 : i32
    %dma_start3A_66 = tpu.memref_slice %arg8[%dma_start3A_65] : memref<4x!tpu.dma_semaphore, #tpu.memory_space<semaphore_mem>> -> memref<1x!tpu.dma_semaphore, #tpu.memory_space<semaphore_mem>>
    %dma_start3A_67 = tpu.memref_squeeze %dma_start3A_66 : memref<1x!tpu.dma_semaphore, #tpu.memory_space<semaphore_mem>> -> memref<!tpu.dma_semaphore, #tpu.memory_space<semaphore_mem>>
    %dma_start3A_68 = arith.constant 6 : i32
    %dma_start3A_69 = arith.constant 0 : i32
    %dma_start3A_70 = arith.constant 0 : i32
    %dma_start3A_71 = tpu.memref_slice %arg6[%dma_start3A_68, %dma_start3A_69, %dma_start3A_70] : memref<8x1024x256xf32, #tpu.memory_space<vmem>> -> memref<2x1024x256xf32, #tpu.memory_space<vmem>>
    %dma_start3A_72 = arith.constant 6 : i32
    %dma_start3A_73 = arith.constant 0 : i32
    %dma_start3A_74 = arith.constant 0 : i32
    %dma_start3A_75 = tpu.memref_slice %arg3[%dma_start3A_72, %dma_start3A_73, %dma_start3A_74] : memref<8x1024x256xf32, #tpu.memory_space<any>> -> memref<2x1024x256xf32, #tpu.memory_space<any>>
    tpu.enqueue_dma source(%dma_start3A_75 : memref<2x1024x256xf32, #tpu.memory_space<any>>) target(%dma_start3A_71 : memref<2x1024x256xf32, #tpu.memory_space<vmem>>) target_semaphore(%dma_start3A_67 : memref<!tpu.dma_semaphore, #tpu.memory_space<semaphore_mem>>)
    %dma_start3A_76 = arith.constant 3 : i32
    %dma_start3A_77 = tpu.memref_slice %arg9[%dma_start3A_76] : memref<4x!tpu.dma_semaphore, #tpu.memory_space<semaphore_mem>> -> memref<1x!tpu.dma_semaphore, #tpu.memory_space<semaphore_mem>>
    %dma_start3A_78 = tpu.memref_squeeze %dma_start3A_77 : memref<1x!tpu.dma_semaphore, #tpu.memory_space<semaphore_mem>> -> memref<!tpu.dma_semaphore, #tpu.memory_space<semaphore_mem>>
    %dma_start3A_79 = arith.constant 6 : i32
    %dma_start3A_80 = arith.constant 0 : i32
    %dma_start3A_81 = arith.constant 0 : i32
    %dma_start3A_82 = tpu.memref_slice %arg7[%dma_start3A_79, %dma_start3A_80, %dma_start3A_81] : memref<8x256x1024xf32, #tpu.memory_space<vmem>> -> memref<2x256x1024xf32, #tpu.memory_space<vmem>>
    %dma_start3A_83 = arith.constant 6 : i32
    %dma_start3A_84 = arith.constant 0 : i32
    %dma_start3A_85 = arith.constant 0 : i32
    %dma_start3A_86 = tpu.memref_slice %arg4[%dma_start3A_83, %dma_start3A_84, %dma_start3A_85] : memref<8x256x1024xf32, #tpu.memory_space<any>> -> memref<2x256x1024xf32, #tpu.memory_space<any>>
    tpu.enqueue_dma source(%dma_start3A_86 : memref<2x256x1024xf32, #tpu.memory_space<any>>) target(%dma_start3A_82 : memref<2x256x1024xf32, #tpu.memory_space<vmem>>) target_semaphore(%dma_start3A_78 : memref<!tpu.dma_semaphore, #tpu.memory_space<semaphore_mem>>)
    %get3A = arith.constant 0 : index
    %get3A_87 = arith.constant 0 : index
    %get3A_88 = vector.load %arg0[%get3A, %get3A_87] : memref<128x256xf32, #tpu.memory_space<vmem>>, vector<128x256xf32>
    %dma_wait3A = arith.constant 0 : i32
    %dma_wait3A_89 = tpu.memref_slice %arg8[%dma_wait3A] : memref<4x!tpu.dma_semaphore, #tpu.memory_space<semaphore_mem>> -> memref<1x!tpu.dma_semaphore, #tpu.memory_space<semaphore_mem>>
    %dma_wait3A_90 = tpu.memref_squeeze %dma_wait3A_89 : memref<1x!tpu.dma_semaphore, #tpu.memory_space<semaphore_mem>> -> memref<!tpu.dma_semaphore, #tpu.memory_space<semaphore_mem>>
    %dma_wait3A_91 = arith.constant 0 : i32
    %dma_wait3A_92 = arith.constant 0 : i32
    %dma_wait3A_93 = arith.constant 0 : i32
    %dma_wait3A_94 = tpu.memref_slice %arg6[%dma_wait3A_91, %dma_wait3A_92, %dma_wait3A_93] : memref<8x1024x256xf32, #tpu.memory_space<vmem>> -> memref<2x1024x256xf32, #tpu.memory_space<vmem>>
    %dma_wait3A_95 = arith.constant 0 : i32
    %dma_wait3A_96 = arith.constant 0 : i32
    %dma_wait3A_97 = arith.constant 0 : i32
    %dma_wait3A_98 = tpu.memref_slice %arg3[%dma_wait3A_95, %dma_wait3A_96, %dma_wait3A_97] : memref<8x1024x256xf32, #tpu.memory_space<any>> -> memref<2x1024x256xf32, #tpu.memory_space<any>>
    tpu.wait_dma2 semaphore(%dma_wait3A_90 : memref<!tpu.dma_semaphore, #tpu.memory_space<semaphore_mem>>) src(%dma_wait3A_98 : memref<2x1024x256xf32, #tpu.memory_space<any>>) dst(%dma_wait3A_94 : memref<2x1024x256xf32, #tpu.memory_space<vmem>>)
    %dma_wait3A_99 = arith.constant 0 : i32
    %dma_wait3A_100 = tpu.memref_slice %arg9[%dma_wait3A_99] : memref<4x!tpu.dma_semaphore, #tpu.memory_space<semaphore_mem>> -> memref<1x!tpu.dma_semaphore, #tpu.memory_space<semaphore_mem>>
    %dma_wait3A_101 = tpu.memref_squeeze %dma_wait3A_100 : memref<1x!tpu.dma_semaphore, #tpu.memory_space<semaphore_mem>> -> memref<!tpu.dma_semaphore, #tpu.memory_space<semaphore_mem>>
    %dma_wait3A_102 = arith.constant 0 : i32
    %dma_wait3A_103 = arith.constant 0 : i32
    %dma_wait3A_104 = arith.constant 0 : i32
    %dma_wait3A_105 = tpu.memref_slice %arg7[%dma_wait3A_102, %dma_wait3A_103, %dma_wait3A_104] : memref<8x256x1024xf32, #tpu.memory_space<vmem>> -> memref<2x256x1024xf32, #tpu.memory_space<vmem>>
    %dma_wait3A_106 = arith.constant 0 : i32
    %dma_wait3A_107 = arith.constant 0 : i32
    %dma_wait3A_108 = arith.constant 0 : i32
    %dma_wait3A_109 = tpu.memref_slice %arg4[%dma_wait3A_106, %dma_wait3A_107, %dma_wait3A_108] : memref<8x256x1024xf32, #tpu.memory_space<any>> -> memref<2x256x1024xf32, #tpu.memory_space<any>>
    tpu.wait_dma2 semaphore(%dma_wait3A_101 : memref<!tpu.dma_semaphore, #tpu.memory_space<semaphore_mem>>) src(%dma_wait3A_109 : memref<2x256x1024xf32, #tpu.memory_space<any>>) dst(%dma_wait3A_105 : memref<2x256x1024xf32, #tpu.memory_space<vmem>>)
    %get3A_110 = arith.constant 0 : index
    %get3A_111 = arith.constant 0 : index
    %get3A_112 = arith.constant 0 : index
    %get3A_113 = vector.load %arg6[%get3A_110, %get3A_111, %get3A_112] : memref<8x1024x256xf32, #tpu.memory_space<vmem>>, vector<1x1024x256xf32>
    %get3A_114 = vector.shape_cast %get3A_113 : vector<1x1024x256xf32> to vector<1024x256xf32>
    %dot_general3A = arith.constant dense<0.000000e+00> : vector<128x1024xf32>
    %dot_general3A_115 = tpu.matmul %get3A_88, %get3A_114, %dot_general3A {dimension_numbers = #tpu.dot_dimension_numbers<[1], [1], [0], [0], [0, 0, 1, 0], [], []>, transpose_lhs_hint = false} : vector<128x256xf32>, vector<1024x256xf32>, vector<128x1024xf32> -> vector<128x1024xf32>
    %get3A_116 = arith.constant 0 : index
    %get3A_117 = arith.constant 0 : index
    %get3A_118 = vector.load %arg1[%get3A_116, %get3A_117] : memref<8x1024xf32, #tpu.memory_space<vmem>>, vector<1x1024xf32>
    %get3A_119 = vector.shape_cast %get3A_118 : vector<1x1024xf32> to vector<1024xf32>
    %broadcast_in_dim3A = vector.shape_cast %get3A_119 : vector<1024xf32> to vector<1x1024xf32>
    %add3A = vector.broadcast %broadcast_in_dim3A : vector<1x1024xf32> to vector<128x1024xf32>
    %add3A_120 = arith.addf %dot_general3A_115, %add3A : vector<128x1024xf32>
    %max3A = arith.constant 0.000000e+00 : f32
    %max3A_121 = vector.broadcast %max3A : f32 to vector<128x1024xf32>
    %max3A_122 = arith.maximumf %add3A_120, %max3A_121 : vector<128x1024xf32>
    %get3A_123 = arith.constant 0 : index
    %get3A_124 = arith.constant 0 : index
    %get3A_125 = arith.constant 0 : index
    %get3A_126 = vector.load %arg7[%get3A_123, %get3A_124, %get3A_125] : memref<8x256x1024xf32, #tpu.memory_space<vmem>>, vector<1x256x1024xf32>
    %get3A_127 = vector.shape_cast %get3A_126 : vector<1x256x1024xf32> to vector<256x1024xf32>
    %dot_general3A_128 = arith.constant dense<0.000000e+00> : vector<128x256xf32>
    %dot_general3A_129 = tpu.matmul %max3A_122, %get3A_127, %dot_general3A_128 {dimension_numbers = #tpu.dot_dimension_numbers<[1], [1], [0], [0], [0, 0, 1, 0], [], []>, transpose_lhs_hint = false} : vector<128x1024xf32>, vector<256x1024xf32>, vector<128x256xf32> -> vector<128x256xf32>
    %get3A_130 = arith.constant 0 : index
    %get3A_131 = arith.constant 0 : index
    %get3A_132 = vector.load %arg2[%get3A_130, %get3A_131] : memref<8x256xf32, #tpu.memory_space<vmem>>, vector<1x256xf32>
    %get3A_133 = vector.shape_cast %get3A_132 : vector<1x256xf32> to vector<256xf32>
    %broadcast_in_dim3A_134 = vector.shape_cast %get3A_133 : vector<256xf32> to vector<1x256xf32>
    %add3A_135 = vector.broadcast %broadcast_in_dim3A_134 : vector<1x256xf32> to vector<128x256xf32>
    %add3A_136 = arith.addf %dot_general3A_129, %add3A_135 : vector<128x256xf32>
    %swap3A = arith.constant 0 : index
    %swap3A_137 = arith.constant 0 : index
    %swap3A_138 = arith.constant 0 : index
    %swap3A_139 = vector.load %arg5[%swap3A, %swap3A_137, %swap3A_138] : memref<8x128x256xf32, #tpu.memory_space<vmem>>, vector<1x128x256xf32>
    %swap3A_140 = vector.shape_cast %swap3A_139 : vector<1x128x256xf32> to vector<128x256xf32>
    %swap3A_141 = vector.shape_cast %add3A_136 : vector<128x256xf32> to vector<1x128x256xf32>
    tpu.vector_store %arg5[%swap3A, %swap3A_137, %swap3A_138], %swap3A_141 {strides = array<i32>} : memref<8x128x256xf32, #tpu.memory_space<vmem>>, vector<1x128x256xf32>,
    %get3A_142 = arith.constant 1 : index
    %get3A_143 = arith.constant 0 : index
    %get3A_144 = arith.constant 0 : index
    %get3A_145 = vector.load %arg6[%get3A_142, %get3A_143, %get3A_144] : memref<8x1024x256xf32, #tpu.memory_space<vmem>>, vector<1x1024x256xf32>
    %get3A_146 = vector.shape_cast %get3A_145 : vector<1x1024x256xf32> to vector<1024x256xf32>
    %dot_general3A_147 = arith.constant dense<0.000000e+00> : vector<128x1024xf32>
    %dot_general3A_148 = tpu.matmul %get3A_88, %get3A_146, %dot_general3A_147 {dimension_numbers = #tpu.dot_dimension_numbers<[1], [1], [0], [0], [0, 0, 1, 0], [], []>, transpose_lhs_hint = false} : vector<128x256xf32>, vector<1024x256xf32>, vector<128x1024xf32> -> vector<128x1024xf32>
    %get3A_149 = arith.constant 1 : index
    %get3A_150 = arith.constant 0 : index
    %get3A_151 = vector.load %arg1[%get3A_149, %get3A_150] : memref<8x1024xf32, #tpu.memory_space<vmem>>, vector<1x1024xf32>
    %get3A_152 = vector.shape_cast %get3A_151 : vector<1x1024xf32> to vector<1024xf32>
    %broadcast_in_dim3A_153 = vector.shape_cast %get3A_152 : vector<1024xf32> to vector<1x1024xf32>
    %add3A_154 = vector.broadcast %broadcast_in_dim3A_153 : vector<1x1024xf32> to vector<128x1024xf32>
    %add3A_155 = arith.addf %dot_general3A_148, %add3A_154 : vector<128x1024xf32>
    %max3A_156 = arith.constant 0.000000e+00 : f32
    %max3A_157 = vector.broadcast %max3A_156 : f32 to vector<128x1024xf32>
    %max3A_158 = arith.maximumf %add3A_155, %max3A_157 : vector<128x1024xf32>
    %get3A_159 = arith.constant 1 : index
    %get3A_160 = arith.constant 0 : index
    %get3A_161 = arith.constant 0 : index
    %get3A_162 = vector.load %arg7[%get3A_159, %get3A_160, %get3A_161] : memref<8x256x1024xf32, #tpu.memory_space<vmem>>, vector<1x256x1024xf32>
    %get3A_163 = vector.shape_cast %get3A_162 : vector<1x256x1024xf32> to vector<256x1024xf32>
    %dot_general3A_164 = arith.constant dense<0.000000e+00> : vector<128x256xf32>
    %dot_general3A_165 = tpu.matmul %max3A_158, %get3A_163, %dot_general3A_164 {dimension_numbers = #tpu.dot_dimension_numbers<[1], [1], [0], [0], [0, 0, 1, 0], [], []>, transpose_lhs_hint = false} : vector<128x1024xf32>, vector<256x1024xf32>, vector<128x256xf32> -> vector<128x256xf32>
    %get3A_166 = arith.constant 1 : index
    %get3A_167 = arith.constant 0 : index
    %get3A_168 = vector.load %arg2[%get3A_166, %get3A_167] : memref<8x256xf32, #tpu.memory_space<vmem>>, vector<1x256xf32>
    %get3A_169 = vector.shape_cast %get3A_168 : vector<1x256xf32> to vector<256xf32>
    %broadcast_in_dim3A_170 = vector.shape_cast %get3A_169 : vector<256xf32> to vector<1x256xf32>
    %add3A_171 = vector.broadcast %broadcast_in_dim3A_170 : vector<1x256xf32> to vector<128x256xf32>
    %add3A_172 = arith.addf %dot_general3A_165, %add3A_171 : vector<128x256xf32>
    %swap3A_173 = arith.constant 1 : index
    %swap3A_174 = arith.constant 0 : index
    %swap3A_175 = arith.constant 0 : index
    %swap3A_176 = vector.load %arg5[%swap3A_173, %swap3A_174, %swap3A_175] : memref<8x128x256xf32, #tpu.memory_space<vmem>>, vector<1x128x256xf32>
    %swap3A_177 = vector.shape_cast %swap3A_176 : vector<1x128x256xf32> to vector<128x256xf32>
    %swap3A_178 = vector.shape_cast %add3A_172 : vector<128x256xf32> to vector<1x128x256xf32>
    tpu.vector_store %arg5[%swap3A_173, %swap3A_174, %swap3A_175], %swap3A_178 {strides = array<i32>} : memref<8x128x256xf32, #tpu.memory_space<vmem>>, vector<1x128x256xf32>,
    %dma_wait3A_179 = arith.constant 1 : i32
    %dma_wait3A_180 = tpu.memref_slice %arg8[%dma_wait3A_179] : memref<4x!tpu.dma_semaphore, #tpu.memory_space<semaphore_mem>> -> memref<1x!tpu.dma_semaphore, #tpu.memory_space<semaphore_mem>>
    %dma_wait3A_181 = tpu.memref_squeeze %dma_wait3A_180 : memref<1x!tpu.dma_semaphore, #tpu.memory_space<semaphore_mem>> -> memref<!tpu.dma_semaphore, #tpu.memory_space<semaphore_mem>>
    %dma_wait3A_182 = arith.constant 2 : i32
    %dma_wait3A_183 = arith.constant 0 : i32
    %dma_wait3A_184 = arith.constant 0 : i32
    %dma_wait3A_185 = tpu.memref_slice %arg6[%dma_wait3A_182, %dma_wait3A_183, %dma_wait3A_184] : memref<8x1024x256xf32, #tpu.memory_space<vmem>> -> memref<2x1024x256xf32, #tpu.memory_space<vmem>>
    %dma_wait3A_186 = arith.constant 2 : i32
    %dma_wait3A_187 = arith.constant 0 : i32
    %dma_wait3A_188 = arith.constant 0 : i32
    %dma_wait3A_189 = tpu.memref_slice %arg3[%dma_wait3A_186, %dma_wait3A_187, %dma_wait3A_188] : memref<8x1024x256xf32, #tpu.memory_space<any>> -> memref<2x1024x256xf32, #tpu.memory_space<any>>
    tpu.wait_dma2 semaphore(%dma_wait3A_181 : memref<!tpu.dma_semaphore, #tpu.memory_space<semaphore_mem>>) src(%dma_wait3A_189 : memref<2x1024x256xf32, #tpu.memory_space<any>>) dst(%dma_wait3A_185 : memref<2x1024x256xf32, #tpu.memory_space<vmem>>)
    %dma_wait3A_190 = arith.constant 1 : i32
    %dma_wait3A_191 = tpu.memref_slice %arg9[%dma_wait3A_190] : memref<4x!tpu.dma_semaphore, #tpu.memory_space<semaphore_mem>> -> memref<1x!tpu.dma_semaphore, #tpu.memory_space<semaphore_mem>>
    %dma_wait3A_192 = tpu.memref_squeeze %dma_wait3A_191 : memref<1x!tpu.dma_semaphore, #tpu.memory_space<semaphore_mem>> -> memref<!tpu.dma_semaphore, #tpu.memory_space<semaphore_mem>>
    %dma_wait3A_193 = arith.constant 2 : i32
    %dma_wait3A_194 = arith.constant 0 : i32
    %dma_wait3A_195 = arith.constant 0 : i32
    %dma_wait3A_196 = tpu.memref_slice %arg7[%dma_wait3A_193, %dma_wait3A_194, %dma_wait3A_195] : memref<8x256x1024xf32, #tpu.memory_space<vmem>> -> memref<2x256x1024xf32, #tpu.memory_space<vmem>>
    %dma_wait3A_197 = arith.constant 2 : i32
    %dma_wait3A_198 = arith.constant 0 : i32
    %dma_wait3A_199 = arith.constant 0 : i32
    %dma_wait3A_200 = tpu.memref_slice %arg4[%dma_wait3A_197, %dma_wait3A_198, %dma_wait3A_199] : memref<8x256x1024xf32, #tpu.memory_space<any>> -> memref<2x256x1024xf32, #tpu.memory_space<any>>
    tpu.wait_dma2 semaphore(%dma_wait3A_192 : memref<!tpu.dma_semaphore, #tpu.memory_space<semaphore_mem>>) src(%dma_wait3A_200 : memref<2x256x1024xf32, #tpu.memory_space<any>>) dst(%dma_wait3A_196 : memref<2x256x1024xf32, #tpu.memory_space<vmem>>)
    %get3A_201 = arith.constant 2 : index
    %get3A_202 = arith.constant 0 : index
    %get3A_203 = arith.constant 0 : index
    %get3A_204 = vector.load %arg6[%get3A_201, %get3A_202, %get3A_203] : memref<8x1024x256xf32, #tpu.memory_space<vmem>>, vector<1x1024x256xf32>
    %get3A_205 = vector.shape_cast %get3A_204 : vector<1x1024x256xf32> to vector<1024x256xf32>
    %dot_general3A_206 = arith.constant dense<0.000000e+00> : vector<128x1024xf32>
    %dot_general3A_207 = tpu.matmul %get3A_88, %get3A_205, %dot_general3A_206 {dimension_numbers = #tpu.dot_dimension_numbers<[1], [1], [0], [0], [0, 0, 1, 0], [], []>, transpose_lhs_hint = false} : vector<128x256xf32>, vector<1024x256xf32>, vector<128x1024xf32> -> vector<128x1024xf32>
    %get3A_208 = arith.constant 2 : index
    %get3A_209 = arith.constant 0 : index
    %get3A_210 = vector.load %arg1[%get3A_208, %get3A_209] : memref<8x1024xf32, #tpu.memory_space<vmem>>, vector<1x1024xf32>
    %get3A_211 = vector.shape_cast %get3A_210 : vector<1x1024xf32> to vector<1024xf32>
    %broadcast_in_dim3A_212 = vector.shape_cast %get3A_211 : vector<1024xf32> to vector<1x1024xf32>
    %add3A_213 = vector.broadcast %broadcast_in_dim3A_212 : vector<1x1024xf32> to vector<128x1024xf32>
    %add3A_214 = arith.addf %dot_general3A_207, %add3A_213 : vector<128x1024xf32>
    %max3A_215 = arith.constant 0.000000e+00 : f32
    %max3A_216 = vector.broadcast %max3A_215 : f32 to vector<128x1024xf32>
    %max3A_217 = arith.maximumf %add3A_214, %max3A_216 : vector<128x1024xf32>
    %get3A_218 = arith.constant 2 : index
    %get3A_219 = arith.constant 0 : index
    %get3A_220 = arith.constant 0 : index
    %get3A_221 = vector.load %arg7[%get3A_218, %get3A_219, %get3A_220] : memref<8x256x1024xf32, #tpu.memory_space<vmem>>, vector<1x256x1024xf32>
    %get3A_222 = vector.shape_cast %get3A_221 : vector<1x256x1024xf32> to vector<256x1024xf32>
    %dot_general3A_223 = arith.constant dense<0.000000e+00> : vector<128x256xf32>
    %dot_general3A_224 = tpu.matmul %max3A_217, %get3A_222, %dot_general3A_223 {dimension_numbers = #tpu.dot_dimension_numbers<[1], [1], [0], [0], [0, 0, 1, 0], [], []>, transpose_lhs_hint = false} : vector<128x1024xf32>, vector<256x1024xf32>, vector<128x256xf32> -> vector<128x256xf32>
    %get3A_225 = arith.constant 2 : index
    %get3A_226 = arith.constant 0 : index
    %get3A_227 = vector.load %arg2[%get3A_225, %get3A_226] : memref<8x256xf32, #tpu.memory_space<vmem>>, vector<1x256xf32>
    %get3A_228 = vector.shape_cast %get3A_227 : vector<1x256xf32> to vector<256xf32>
    %broadcast_in_dim3A_229 = vector.shape_cast %get3A_228 : vector<256xf32> to vector<1x256xf32>
    %add3A_230 = vector.broadcast %broadcast_in_dim3A_229 : vector<1x256xf32> to vector<128x256xf32>
    %add3A_231 = arith.addf %dot_general3A_224, %add3A_230 : vector<128x256xf32>
    %swap3A_232 = arith.constant 2 : index
    %swap3A_233 = arith.constant 0 : index
    %swap3A_234 = arith.constant 0 : index
    %swap3A_235 = vector.load %arg5[%swap3A_232, %swap3A_233, %swap3A_234] : memref<8x128x256xf32, #tpu.memory_space<vmem>>, vector<1x128x256xf32>
    %swap3A_236 = vector.shape_cast %swap3A_235 : vector<1x128x256xf32> to vector<128x256xf32>
    %swap3A_237 = vector.shape_cast %add3A_231 : vector<128x256xf32> to vector<1x128x256xf32>
    tpu.vector_store %arg5[%swap3A_232, %swap3A_233, %swap3A_234], %swap3A_237 {strides = array<i32>} : memref<8x128x256xf32, #tpu.memory_space<vmem>>, vector<1x128x256xf32>,
    %get3A_238 = arith.constant 3 : index
    %get3A_239 = arith.constant 0 : index
    %get3A_240 = arith.constant 0 : index
    %get3A_241 = vector.load %arg6[%get3A_238, %get3A_239, %get3A_240] : memref<8x1024x256xf32, #tpu.memory_space<vmem>>, vector<1x1024x256xf32>
    %get3A_242 = vector.shape_cast %get3A_241 : vector<1x1024x256xf32> to vector<1024x256xf32>
    %dot_general3A_243 = arith.constant dense<0.000000e+00> : vector<128x1024xf32>
    %dot_general3A_244 = tpu.matmul %get3A_88, %get3A_242, %dot_general3A_243 {dimension_numbers = #tpu.dot_dimension_numbers<[1], [1], [0], [0], [0, 0, 1, 0], [], []>, transpose_lhs_hint = false} : vector<128x256xf32>, vector<1024x256xf32>, vector<128x1024xf32> -> vector<128x1024xf32>
    %get3A_245 = arith.constant 3 : index
    %get3A_246 = arith.constant 0 : index
    %get3A_247 = vector.load %arg1[%get3A_245, %get3A_246] : memref<8x1024xf32, #tpu.memory_space<vmem>>, vector<1x1024xf32>
    %get3A_248 = vector.shape_cast %get3A_247 : vector<1x1024xf32> to vector<1024xf32>
    %broadcast_in_dim3A_249 = vector.shape_cast %get3A_248 : vector<1024xf32> to vector<1x1024xf32>
    %add3A_250 = vector.broadcast %broadcast_in_dim3A_249 : vector<1x1024xf32> to vector<128x1024xf32>
    %add3A_251 = arith.addf %dot_general3A_244, %add3A_250 : vector<128x1024xf32>
    %max3A_252 = arith.constant 0.000000e+00 : f32
    %max3A_253 = vector.broadcast %max3A_252 : f32 to vector<128x1024xf32>
    %max3A_254 = arith.maximumf %add3A_251, %max3A_253 : vector<128x1024xf32>
    %get3A_255 = arith.constant 3 : index
    %get3A_256 = arith.constant 0 : index
    %get3A_257 = arith.constant 0 : index
    %get3A_258 = vector.load %arg7[%get3A_255, %get3A_256, %get3A_257] : memref<8x256x1024xf32, #tpu.memory_space<vmem>>, vector<1x256x1024xf32>
    %get3A_259 = vector.shape_cast %get3A_258 : vector<1x256x1024xf32> to vector<256x1024xf32>
    %dot_general3A_260 = arith.constant dense<0.000000e+00> : vector<128x256xf32>
    %dot_general3A_261 = tpu.matmul %max3A_254, %get3A_259, %dot_general3A_260 {dimension_numbers = #tpu.dot_dimension_numbers<[1], [1], [0], [0], [0, 0, 1, 0], [], []>, transpose_lhs_hint = false} : vector<128x1024xf32>, vector<256x1024xf32>, vector<128x256xf32> -> vector<128x256xf32>
    %get3A_262 = arith.constant 3 : index
    %get3A_263 = arith.constant 0 : index
    %get3A_264 = vector.load %arg2[%get3A_262, %get3A_263] : memref<8x256xf32, #tpu.memory_space<vmem>>, vector<1x256xf32>
    %get3A_265 = vector.shape_cast %get3A_264 : vector<1x256xf32> to vector<256xf32>
    %broadcast_in_dim3A_266 = vector.shape_cast %get3A_265 : vector<256xf32> to vector<1x256xf32>
    %add3A_267 = vector.broadcast %broadcast_in_dim3A_266 : vector<1x256xf32> to vector<128x256xf32>
    %add3A_268 = arith.addf %dot_general3A_261, %add3A_267 : vector<128x256xf32>
    %swap3A_269 = arith.constant 3 : index
    %swap3A_270 = arith.constant 0 : index
    %swap3A_271 = arith.constant 0 : index
    %swap3A_272 = vector.load %arg5[%swap3A_269, %swap3A_270, %swap3A_271] : memref<8x128x256xf32, #tpu.memory_space<vmem>>, vector<1x128x256xf32>
    %swap3A_273 = vector.shape_cast %swap3A_272 : vector<1x128x256xf32> to vector<128x256xf32>
    %swap3A_274 = vector.shape_cast %add3A_268 : vector<128x256xf32> to vector<1x128x256xf32>
    tpu.vector_store %arg5[%swap3A_269, %swap3A_270, %swap3A_271], %swap3A_274 {strides = array<i32>} : memref<8x128x256xf32, #tpu.memory_space<vmem>>, vector<1x128x256xf32>,
    %dma_wait3A_275 = arith.constant 2 : i32
    %dma_wait3A_276 = tpu.memref_slice %arg8[%dma_wait3A_275] : memref<4x!tpu.dma_semaphore, #tpu.memory_space<semaphore_mem>> -> memref<1x!tpu.dma_semaphore, #tpu.memory_space<semaphore_mem>>
    %dma_wait3A_277 = tpu.memref_squeeze %dma_wait3A_276 : memref<1x!tpu.dma_semaphore, #tpu.memory_space<semaphore_mem>> -> memref<!tpu.dma_semaphore, #tpu.memory_space<semaphore_mem>>
    %dma_wait3A_278 = arith.constant 4 : i32
    %dma_wait3A_279 = arith.constant 0 : i32
    %dma_wait3A_280 = arith.constant 0 : i32
    %dma_wait3A_281 = tpu.memref_slice %arg6[%dma_wait3A_278, %dma_wait3A_279, %dma_wait3A_280] : memref<8x1024x256xf32, #tpu.memory_space<vmem>> -> memref<2x1024x256xf32, #tpu.memory_space<vmem>>
    %dma_wait3A_282 = arith.constant 4 : i32
    %dma_wait3A_283 = arith.constant 0 : i32
    %dma_wait3A_284 = arith.constant 0 : i32
    %dma_wait3A_285 = tpu.memref_slice %arg3[%dma_wait3A_282, %dma_wait3A_283, %dma_wait3A_284] : memref<8x1024x256xf32, #tpu.memory_space<any>> -> memref<2x1024x256xf32, #tpu.memory_space<any>>
    tpu.wait_dma2 semaphore(%dma_wait3A_277 : memref<!tpu.dma_semaphore, #tpu.memory_space<semaphore_mem>>) src(%dma_wait3A_285 : memref<2x1024x256xf32, #tpu.memory_space<any>>) dst(%dma_wait3A_281 : memref<2x1024x256xf32, #tpu.memory_space<vmem>>)
    %dma_wait3A_286 = arith.constant 2 : i32
    %dma_wait3A_287 = tpu.memref_slice %arg9[%dma_wait3A_286] : memref<4x!tpu.dma_semaphore, #tpu.memory_space<semaphore_mem>> -> memref<1x!tpu.dma_semaphore, #tpu.memory_space<semaphore_mem>>
    %dma_wait3A_288 = tpu.memref_squeeze %dma_wait3A_287 : memref<1x!tpu.dma_semaphore, #tpu.memory_space<semaphore_mem>> -> memref<!tpu.dma_semaphore, #tpu.memory_space<semaphore_mem>>
    %dma_wait3A_289 = arith.constant 4 : i32
    %dma_wait3A_290 = arith.constant 0 : i32
    %dma_wait3A_291 = arith.constant 0 : i32
    %dma_wait3A_292 = tpu.memref_slice %arg7[%dma_wait3A_289, %dma_wait3A_290, %dma_wait3A_291] : memref<8x256x1024xf32, #tpu.memory_space<vmem>> -> memref<2x256x1024xf32, #tpu.memory_space<vmem>>
    %dma_wait3A_293 = arith.constant 4 : i32
    %dma_wait3A_294 = arith.constant 0 : i32
    %dma_wait3A_295 = arith.constant 0 : i32
    %dma_wait3A_296 = tpu.memref_slice %arg4[%dma_wait3A_293, %dma_wait3A_294, %dma_wait3A_295] : memref<8x256x1024xf32, #tpu.memory_space<any>> -> memref<2x256x1024xf32, #tpu.memory_space<any>>
    tpu.wait_dma2 semaphore(%dma_wait3A_288 : memref<!tpu.dma_semaphore, #tpu.memory_space<semaphore_mem>>) src(%dma_wait3A_296 : memref<2x256x1024xf32, #tpu.memory_space<any>>) dst(%dma_wait3A_292 : memref<2x256x1024xf32, #tpu.memory_space<vmem>>)
    %get3A_297 = arith.constant 4 : index
    %get3A_298 = arith.constant 0 : index
    %get3A_299 = arith.constant 0 : index
    %get3A_300 = vector.load %arg6[%get3A_297, %get3A_298, %get3A_299] : memref<8x1024x256xf32, #tpu.memory_space<vmem>>, vector<1x1024x256xf32>
    %get3A_301 = vector.shape_cast %get3A_300 : vector<1x1024x256xf32> to vector<1024x256xf32>
    %dot_general3A_302 = arith.constant dense<0.000000e+00> : vector<128x1024xf32>
    %dot_general3A_303 = tpu.matmul %get3A_88, %get3A_301, %dot_general3A_302 {dimension_numbers = #tpu.dot_dimension_numbers<[1], [1], [0], [0], [0, 0, 1, 0], [], []>, transpose_lhs_hint = false} : vector<128x256xf32>, vector<1024x256xf32>, vector<128x1024xf32> -> vector<128x1024xf32>
    %get3A_304 = arith.constant 4 : index
    %get3A_305 = arith.constant 0 : index
    %get3A_306 = vector.load %arg1[%get3A_304, %get3A_305] : memref<8x1024xf32, #tpu.memory_space<vmem>>, vector<1x1024xf32>
    %get3A_307 = vector.shape_cast %get3A_306 : vector<1x1024xf32> to vector<1024xf32>
    %broadcast_in_dim3A_308 = vector.shape_cast %get3A_307 : vector<1024xf32> to vector<1x1024xf32>
    %add3A_309 = vector.broadcast %broadcast_in_dim3A_308 : vector<1x1024xf32> to vector<128x1024xf32>
    %add3A_310 = arith.addf %dot_general3A_303, %add3A_309 : vector<128x1024xf32>
    %max3A_311 = arith.constant 0.000000e+00 : f32
    %max3A_312 = vector.broadcast %max3A_311 : f32 to vector<128x1024xf32>
    %max3A_313 = arith.maximumf %add3A_310, %max3A_312 : vector<128x1024xf32>
    %get3A_314 = arith.constant 4 : index
    %get3A_315 = arith.constant 0 : index
    %get3A_316 = arith.constant 0 : index
    %get3A_317 = vector.load %arg7[%get3A_314, %get3A_315, %get3A_316] : memref<8x256x1024xf32, #tpu.memory_space<vmem>>, vector<1x256x1024xf32>
    %get3A_318 = vector.shape_cast %get3A_317 : vector<1x256x1024xf32> to vector<256x1024xf32>
    %dot_general3A_319 = arith.constant dense<0.000000e+00> : vector<128x256xf32>
    %dot_general3A_320 = tpu.matmul %max3A_313, %get3A_318, %dot_general3A_319 {dimension_numbers = #tpu.dot_dimension_numbers<[1], [1], [0], [0], [0, 0, 1, 0], [], []>, transpose_lhs_hint = false} : vector<128x1024xf32>, vector<256x1024xf32>, vector<128x256xf32> -> vector<128x256xf32>
    %get3A_321 = arith.constant 4 : index
    %get3A_322 = arith.constant 0 : index
    %get3A_323 = vector.load %arg2[%get3A_321, %get3A_322] : memref<8x256xf32, #tpu.memory_space<vmem>>, vector<1x256xf32>
    %get3A_324 = vector.shape_cast %get3A_323 : vector<1x256xf32> to vector<256xf32>
    %broadcast_in_dim3A_325 = vector.shape_cast %get3A_324 : vector<256xf32> to vector<1x256xf32>
    %add3A_326 = vector.broadcast %broadcast_in_dim3A_325 : vector<1x256xf32> to vector<128x256xf32>
    %add3A_327 = arith.addf %dot_general3A_320, %add3A_326 : vector<128x256xf32>
    %swap3A_328 = arith.constant 4 : index
    %swap3A_329 = arith.constant 0 : index
    %swap3A_330 = arith.constant 0 : index
    %swap3A_331 = vector.load %arg5[%swap3A_328, %swap3A_329, %swap3A_330] : memref<8x128x256xf32, #tpu.memory_space<vmem>>, vector<1x128x256xf32>
    %swap3A_332 = vector.shape_cast %swap3A_331 : vector<1x128x256xf32> to vector<128x256xf32>
    %swap3A_333 = vector.shape_cast %add3A_327 : vector<128x256xf32> to vector<1x128x256xf32>
    tpu.vector_store %arg5[%swap3A_328, %swap3A_329, %swap3A_330], %swap3A_333 {strides = array<i32>} : memref<8x128x256xf32, #tpu.memory_space<vmem>>, vector<1x128x256xf32>,
    %get3A_334 = arith.constant 5 : index
    %get3A_335 = arith.constant 0 : index
    %get3A_336 = arith.constant 0 : index
    %get3A_337 = vector.load %arg6[%get3A_334, %get3A_335, %get3A_336] : memref<8x1024x256xf32, #tpu.memory_space<vmem>>, vector<1x1024x256xf32>
    %get3A_338 = vector.shape_cast %get3A_337 : vector<1x1024x256xf32> to vector<1024x256xf32>
    %dot_general3A_339 = arith.constant dense<0.000000e+00> : vector<128x1024xf32>
    %dot_general3A_340 = tpu.matmul %get3A_88, %get3A_338, %dot_general3A_339 {dimension_numbers = #tpu.dot_dimension_numbers<[1], [1], [0], [0], [0, 0, 1, 0], [], []>, transpose_lhs_hint = false} : vector<128x256xf32>, vector<1024x256xf32>, vector<128x1024xf32> -> vector<128x1024xf32>
    %get3A_341 = arith.constant 5 : index
    %get3A_342 = arith.constant 0 : index
    %get3A_343 = vector.load %arg1[%get3A_341, %get3A_342] : memref<8x1024xf32, #tpu.memory_space<vmem>>, vector<1x1024xf32>
    %get3A_344 = vector.shape_cast %get3A_343 : vector<1x1024xf32> to vector<1024xf32>
    %broadcast_in_dim3A_345 = vector.shape_cast %get3A_344 : vector<1024xf32> to vector<1x1024xf32>
    %add3A_346 = vector.broadcast %broadcast_in_dim3A_345 : vector<1x1024xf32> to vector<128x1024xf32>
    %add3A_347 = arith.addf %dot_general3A_340, %add3A_346 : vector<128x1024xf32>
    %max3A_348 = arith.constant 0.000000e+00 : f32
    %max3A_349 = vector.broadcast %max3A_348 : f32 to vector<128x1024xf32>
    %max3A_350 = arith.maximumf %add3A_347, %max3A_349 : vector<128x1024xf32>
    %get3A_351 = arith.constant 5 : index
    %get3A_352 = arith.constant 0 : index
    %get3A_353 = arith.constant 0 : index
    %get3A_354 = vector.load %arg7[%get3A_351, %get3A_352, %get3A_353] : memref<8x256x1024xf32, #tpu.memory_space<vmem>>, vector<1x256x1024xf32>
    %get3A_355 = vector.shape_cast %get3A_354 : vector<1x256x1024xf32> to vector<256x1024xf32>
    %dot_general3A_356 = arith.constant dense<0.000000e+00> : vector<128x256xf32>
    %dot_general3A_357 = tpu.matmul %max3A_350, %get3A_355, %dot_general3A_356 {dimension_numbers = #tpu.dot_dimension_numbers<[1], [1], [0], [0], [0, 0, 1, 0], [], []>, transpose_lhs_hint = false} : vector<128x1024xf32>, vector<256x1024xf32>, vector<128x256xf32> -> vector<128x256xf32>
    %get3A_358 = arith.constant 5 : index
    %get3A_359 = arith.constant 0 : index
    %get3A_360 = vector.load %arg2[%get3A_358, %get3A_359] : memref<8x256xf32, #tpu.memory_space<vmem>>, vector<1x256xf32>
    %get3A_361 = vector.shape_cast %get3A_360 : vector<1x256xf32> to vector<256xf32>
    %broadcast_in_dim3A_362 = vector.shape_cast %get3A_361 : vector<256xf32> to vector<1x256xf32>
    %add3A_363 = vector.broadcast %broadcast_in_dim3A_362 : vector<1x256xf32> to vector<128x256xf32>
    %add3A_364 = arith.addf %dot_general3A_357, %add3A_363 : vector<128x256xf32>
    %swap3A_365 = arith.constant 5 : index
    %swap3A_366 = arith.constant 0 : index
    %swap3A_367 = arith.constant 0 : index
    %swap3A_368 = vector.load %arg5[%swap3A_365, %swap3A_366, %swap3A_367] : memref<8x128x256xf32, #tpu.memory_space<vmem>>, vector<1x128x256xf32>
    %swap3A_369 = vector.shape_cast %swap3A_368 : vector<1x128x256xf32> to vector<128x256xf32>
    %swap3A_370 = vector.shape_cast %add3A_364 : vector<128x256xf32> to vector<1x128x256xf32>
    tpu.vector_store %arg5[%swap3A_365, %swap3A_366, %swap3A_367], %swap3A_370 {strides = array<i32>} : memref<8x128x256xf32, #tpu.memory_space<vmem>>, vector<1x128x256xf32>,
    %dma_wait3A_371 = arith.constant 3 : i32
    %dma_wait3A_372 = tpu.memref_slice %arg8[%dma_wait3A_371] : memref<4x!tpu.dma_semaphore, #tpu.memory_space<semaphore_mem>> -> memref<1x!tpu.dma_semaphore, #tpu.memory_space<semaphore_mem>>
    %dma_wait3A_373 = tpu.memref_squeeze %dma_wait3A_372 : memref<1x!tpu.dma_semaphore, #tpu.memory_space<semaphore_mem>> -> memref<!tpu.dma_semaphore, #tpu.memory_space<semaphore_mem>>
    %dma_wait3A_374 = arith.constant 6 : i32
    %dma_wait3A_375 = arith.constant 0 : i32
    %dma_wait3A_376 = arith.constant 0 : i32
    %dma_wait3A_377 = tpu.memref_slice %arg6[%dma_wait3A_374, %dma_wait3A_375, %dma_wait3A_376] : memref<8x1024x256xf32, #tpu.memory_space<vmem>> -> memref<2x1024x256xf32, #tpu.memory_space<vmem>>
    %dma_wait3A_378 = arith.constant 6 : i32
    %dma_wait3A_379 = arith.constant 0 : i32
    %dma_wait3A_380 = arith.constant 0 : i32
    %dma_wait3A_381 = tpu.memref_slice %arg3[%dma_wait3A_378, %dma_wait3A_379, %dma_wait3A_380] : memref<8x1024x256xf32, #tpu.memory_space<any>> -> memref<2x1024x256xf32, #tpu.memory_space<any>>
    tpu.wait_dma2 semaphore(%dma_wait3A_373 : memref<!tpu.dma_semaphore, #tpu.memory_space<semaphore_mem>>) src(%dma_wait3A_381 : memref<2x1024x256xf32, #tpu.memory_space<any>>) dst(%dma_wait3A_377 : memref<2x1024x256xf32, #tpu.memory_space<vmem>>)
    %dma_wait3A_382 = arith.constant 3 : i32
    %dma_wait3A_383 = tpu.memref_slice %arg9[%dma_wait3A_382] : memref<4x!tpu.dma_semaphore, #tpu.memory_space<semaphore_mem>> -> memref<1x!tpu.dma_semaphore, #tpu.memory_space<semaphore_mem>>
    %dma_wait3A_384 = tpu.memref_squeeze %dma_wait3A_383 : memref<1x!tpu.dma_semaphore, #tpu.memory_space<semaphore_mem>> -> memref<!tpu.dma_semaphore, #tpu.memory_space<semaphore_mem>>
    %dma_wait3A_385 = arith.constant 6 : i32
    %dma_wait3A_386 = arith.constant 0 : i32
    %dma_wait3A_387 = arith.constant 0 : i32
    %dma_wait3A_388 = tpu.memref_slice %arg7[%dma_wait3A_385, %dma_wait3A_386, %dma_wait3A_387] : memref<8x256x1024xf32, #tpu.memory_space<vmem>> -> memref<2x256x1024xf32, #tpu.memory_space<vmem>>
    %dma_wait3A_389 = arith.constant 6 : i32
    %dma_wait3A_390 = arith.constant 0 : i32
    %dma_wait3A_391 = arith.constant 0 : i32
    %dma_wait3A_392 = tpu.memref_slice %arg4[%dma_wait3A_389, %dma_wait3A_390, %dma_wait3A_391] : memref<8x256x1024xf32, #tpu.memory_space<any>> -> memref<2x256x1024xf32, #tpu.memory_space<any>>
    tpu.wait_dma2 semaphore(%dma_wait3A_384 : memref<!tpu.dma_semaphore, #tpu.memory_space<semaphore_mem>>) src(%dma_wait3A_392 : memref<2x256x1024xf32, #tpu.memory_space<any>>) dst(%dma_wait3A_388 : memref<2x256x1024xf32, #tpu.memory_space<vmem>>)
    %get3A_393 = arith.constant 6 : index
    %get3A_394 = arith.constant 0 : index
    %get3A_395 = arith.constant 0 : index
    %get3A_396 = vector.load %arg6[%get3A_393, %get3A_394, %get3A_395] : memref<8x1024x256xf32, #tpu.memory_space<vmem>>, vector<1x1024x256xf32>
    %get3A_397 = vector.shape_cast %get3A_396 : vector<1x1024x256xf32> to vector<1024x256xf32>
    %dot_general3A_398 = arith.constant dense<0.000000e+00> : vector<128x1024xf32>
    %dot_general3A_399 = tpu.matmul %get3A_88, %get3A_397, %dot_general3A_398 {dimension_numbers = #tpu.dot_dimension_numbers<[1], [1], [0], [0], [0, 0, 1, 0], [], []>, transpose_lhs_hint = false} : vector<128x256xf32>, vector<1024x256xf32>, vector<128x1024xf32> -> vector<128x1024xf32>
    %get3A_400 = arith.constant 6 : index
    %get3A_401 = arith.constant 0 : index
    %get3A_402 = vector.load %arg1[%get3A_400, %get3A_401] : memref<8x1024xf32, #tpu.memory_space<vmem>>, vector<1x1024xf32>
    %get3A_403 = vector.shape_cast %get3A_402 : vector<1x1024xf32> to vector<1024xf32>
    %broadcast_in_dim3A_404 = vector.shape_cast %get3A_403 : vector<1024xf32> to vector<1x1024xf32>
    %add3A_405 = vector.broadcast %broadcast_in_dim3A_404 : vector<1x1024xf32> to vector<128x1024xf32>
    %add3A_406 = arith.addf %dot_general3A_399, %add3A_405 : vector<128x1024xf32>
    %max3A_407 = arith.constant 0.000000e+00 : f32
    %max3A_408 = vector.broadcast %max3A_407 : f32 to vector<128x1024xf32>
    %max3A_409 = arith.maximumf %add3A_406, %max3A_408 : vector<128x1024xf32>
    %get3A_410 = arith.constant 6 : index
    %get3A_411 = arith.constant 0 : index
    %get3A_412 = arith.constant 0 : index
    %get3A_413 = vector.load %arg7[%get3A_410, %get3A_411, %get3A_412] : memref<8x256x1024xf32, #tpu.memory_space<vmem>>, vector<1x256x1024xf32>
    %get3A_414 = vector.shape_cast %get3A_413 : vector<1x256x1024xf32> to vector<256x1024xf32>
    %dot_general3A_415 = arith.constant dense<0.000000e+00> : vector<128x256xf32>
    %dot_general3A_416 = tpu.matmul %max3A_409, %get3A_414, %dot_general3A_415 {dimension_numbers = #tpu.dot_dimension_numbers<[1], [1], [0], [0], [0, 0, 1, 0], [], []>, transpose_lhs_hint = false} : vector<128x1024xf32>, vector<256x1024xf32>, vector<128x256xf32> -> vector<128x256xf32>
    %get3A_417 = arith.constant 6 : index
    %get3A_418 = arith.constant 0 : index
    %get3A_419 = vector.load %arg2[%get3A_417, %get3A_418] : memref<8x256xf32, #tpu.memory_space<vmem>>, vector<1x256xf32>
    %get3A_420 = vector.shape_cast %get3A_419 : vector<1x256xf32> to vector<256xf32>
    %broadcast_in_dim3A_421 = vector.shape_cast %get3A_420 : vector<256xf32> to vector<1x256xf32>
    %add3A_422 = vector.broadcast %broadcast_in_dim3A_421 : vector<1x256xf32> to vector<128x256xf32>
    %add3A_423 = arith.addf %dot_general3A_416, %add3A_422 : vector<128x256xf32>
    %swap3A_424 = arith.constant 6 : index
    %swap3A_425 = arith.constant 0 : index
    %swap3A_426 = arith.constant 0 : index
    %swap3A_427 = vector.load %arg5[%swap3A_424, %swap3A_425, %swap3A_426] : memref<8x128x256xf32, #tpu.memory_space<vmem>>, vector<1x128x256xf32>
    %swap3A_428 = vector.shape_cast %swap3A_427 : vector<1x128x256xf32> to vector<128x256xf32>
    %swap3A_429 = vector.shape_cast %add3A_423 : vector<128x256xf32> to vector<1x128x256xf32>
    tpu.vector_store %arg5[%swap3A_424, %swap3A_425, %swap3A_426], %swap3A_429 {strides = array<i32>} : memref<8x128x256xf32, #tpu.memory_space<vmem>>, vector<1x128x256xf32>,
    %get3A_430 = arith.constant 7 : index
    %get3A_431 = arith.constant 0 : index
    %get3A_432 = arith.constant 0 : index
    %get3A_433 = vector.load %arg6[%get3A_430, %get3A_431, %get3A_432] : memref<8x1024x256xf32, #tpu.memory_space<vmem>>, vector<1x1024x256xf32>
    %get3A_434 = vector.shape_cast %get3A_433 : vector<1x1024x256xf32> to vector<1024x256xf32>
    %dot_general3A_435 = arith.constant dense<0.000000e+00> : vector<128x1024xf32>
    %dot_general3A_436 = tpu.matmul %get3A_88, %get3A_434, %dot_general3A_435 {dimension_numbers = #tpu.dot_dimension_numbers<[1], [1], [0], [0], [0, 0, 1, 0], [], []>, transpose_lhs_hint = false} : vector<128x256xf32>, vector<1024x256xf32>, vector<128x1024xf32> -> vector<128x1024xf32>
    %get3A_437 = arith.constant 7 : index
    %get3A_438 = arith.constant 0 : index
    %get3A_439 = vector.load %arg1[%get3A_437, %get3A_438] : memref<8x1024xf32, #tpu.memory_space<vmem>>, vector<1x1024xf32>
    %get3A_440 = vector.shape_cast %get3A_439 : vector<1x1024xf32> to vector<1024xf32>
    %broadcast_in_dim3A_441 = vector.shape_cast %get3A_440 : vector<1024xf32> to vector<1x1024xf32>
    %add3A_442 = vector.broadcast %broadcast_in_dim3A_441 : vector<1x1024xf32> to vector<128x1024xf32>
    %add3A_443 = arith.addf %dot_general3A_436, %add3A_442 : vector<128x1024xf32>
    %max3A_444 = arith.constant 0.000000e+00 : f32
    %max3A_445 = vector.broadcast %max3A_444 : f32 to vector<128x1024xf32>
    %max3A_446 = arith.maximumf %add3A_443, %max3A_445 : vector<128x1024xf32>
    %get3A_447 = arith.constant 7 : index
    %get3A_448 = arith.constant 0 : index
    %get3A_449 = arith.constant 0 : index
    %get3A_450 = vector.load %arg7[%get3A_447, %get3A_448, %get3A_449] : memref<8x256x1024xf32, #tpu.memory_space<vmem>>, vector<1x256x1024xf32>
    %get3A_451 = vector.shape_cast %get3A_450 : vector<1x256x1024xf32> to vector<256x1024xf32>
    %dot_general3A_452 = arith.constant dense<0.000000e+00> : vector<128x256xf32>
    %dot_general3A_453 = tpu.matmul %max3A_446, %get3A_451, %dot_general3A_452 {dimension_numbers = #tpu.dot_dimension_numbers<[1], [1], [0], [0], [0, 0, 1, 0], [], []>, transpose_lhs_hint = false} : vector<128x1024xf32>, vector<256x1024xf32>, vector<128x256xf32> -> vector<128x256xf32>
    %get3A_454 = arith.constant 7 : index
    %get3A_455 = arith.constant 0 : index
    %get3A_456 = vector.load %arg2[%get3A_454, %get3A_455] : memref<8x256xf32, #tpu.memory_space<vmem>>, vector<1x256xf32>
    %get3A_457 = vector.shape_cast %get3A_456 : vector<1x256xf32> to vector<256xf32>
    %broadcast_in_dim3A_458 = vector.shape_cast %get3A_457 : vector<256xf32> to vector<1x256xf32>
    %add3A_459 = vector.broadcast %broadcast_in_dim3A_458 : vector<1x256xf32> to vector<128x256xf32>
    %add3A_460 = arith.addf %dot_general3A_453, %add3A_459 : vector<128x256xf32>
    %swap3A_461 = arith.constant 7 : index
    %swap3A_462 = arith.constant 0 : index
    %swap3A_463 = arith.constant 0 : index
    %swap3A_464 = vector.load %arg5[%swap3A_461, %swap3A_462, %swap3A_463] : memref<8x128x256xf32, #tpu.memory_space<vmem>>, vector<1x128x256xf32>
    %swap3A_465 = vector.shape_cast %swap3A_464 : vector<1x128x256xf32> to vector<128x256xf32>
    %swap3A_466 = vector.shape_cast %add3A_460 : vector<128x256xf32> to vector<1x128x256xf32>
    tpu.vector_store %arg5[%swap3A_461, %swap3A_462, %swap3A_463], %swap3A_466 {strides = array<i32>} : memref<8x128x256xf32, #tpu.memory_space<vmem>>, vector<1x128x256xf32>,
    return
  }
}

</mosaic_0001>

<sc_bundles>
// kernel: kernel.6.cloned.1.call-start
scs
__scs_entry_jumppad:
0x0: {  	(pc) =	sbr.rel $0x88, $3  }
0x1: {  	(tag) =	ssettag $0x0;
	lr =	simm.s32 $0x1  }
0x2: {  	[smem:$0x3F9B] =	sst lr;
	_ =	strace $0xD0000000  }
0x3: {  	_ = 	snop  }
0x4: {  	_ = 	snop  }
0x5: {  	_ = 	snop  }
0x6: {  	_ = 	snop  }
0x7: {  	_ = 	snop  }
__scs_overlays_trampoline_lowered:
0x8: {  	[smem:$0x3FAA] =	sst s0  }
0x9: {  	[smem:$0x3FAB] =	sst s1  }
0xa: {  	[smem:$0x3FAC] =	sst s2  }
0xb: {  	[smem:$0x3FAD] =	sst s3  }
0xc: {  	[smem:$0x3FAE] =	sst s4  }
0xd: {  	[smem:$0x3FAF] =	sst s5  }
0xe: {  	[smem:$0x3FB0] =	sst s6  }
0xf: {  	[smem:$0x3FB1] =	sst s7  }
0x10: {  	[smem:$0x3FB2] =	sst s8  }
0x11: {  	[smem:$0x3FB3] =	sst s9;
	s0 =	simm.s32 @!p0 $0x0  }
0x12: {  	s1 =	sld [smem:$0x3F99];
	s0 =	simm.s32 @p0 $0x1  }
0x13: {  	[smem:$0x3FB4] =	sst s0;
	s0 =	simm.s32 @!p1 $0x0  }
0x14: {  	s2 =	sld [smem:$0x3F98];
	s0 =	simm.s32 @p1 $0x1  }
0x15: {  	[smem:$0x3FB5] =	sst s0;
	s0 =	simm.s32 @!p2 $0x0  }
0x16: {  	s3 =	sld [smem:$0x3FDB];
	s0 =	simm.s32 @p2 $0x1  }
0x17: {  	s4 =	simm.s32 $0x1BF5;
	[smem:$0x3FB7] =	sst s0  }
0x18: {  	s0 =	sld [smem:$0x3F9A];
	_ =	swait.ge [sflag:s4], $0x0  }
0x19: {  	s7 =	sld [smem:$0x3F9B]  }
0x1a: {  	s8 =	sadd.s32 $0xFFFFE003, lr  }
0x1b: {  	s9 =	sadd.s32 $0xFFFFFEF7, lr;
	s5 =	simm.s32 $0xFFFFFFFF;
	p2 =	slt.u32 s8, $0xFFFFF086  }
0x1c: {  	p1 =	slt.u32 s9, $0xF7A;
	s5 =	simm.s32 @!p2 $0x0  }
0x1d: {  	s5 =	simm.s32 @p1 $0x1;
	p0 =	seq.s32 s7, s2  }
0x1e: {  	s7 =	smul.u32 @!p0 $0xF7A, s2;
	p2 =	seq.s32 @!p0 s5, $0x0  }
0x1f: {  	s9 =	smul.u32 $0xF7A, s1;
	s8 =	simm.s32 @!p0 $0x1BF5;
	p2 =	por !p2, p0  }
0x20: {  	[sflag:s8] =	ssyncset.s32 @!p0 $0xFFFFF086;
	s6 =	sadd.s32 @!p0 s3, s7;
	s7 =	simm.s32 @!p0 $0x108  }
0x21: {  	s3 =	sadd.s32 s3, s9;
	s6 =	sadd.s32 @!p0 $0x88, s6;
	s7 =	simm.s32 @p2 $0x1082  }
0x22: {  	[simem:s7], [sflag:s8] =	dma.local @!p0 [hbm:s6], $0xF7A  }
0x23: {  	s9 =	sor.u32 $0xD0000000, s2;
	s6 =	simm.s32 $0x108;
	_ =	swait.ge @!p0 [sflag:s8], $0x0  }
0x24: {  	s3 =	sadd.s32 $0x88, s3;
	s6 =	simm.s32 @!p1 $0x1082;
	[sflag:s4] =	ssyncset.s32 $0xFFFFF086  }
0x25: {  	[simem:s6], [sflag:s4] =	dma.local [hbm:s3], $0xF7A  }
0x26: {  	[smem:$0x3F9B] =	sst s1;
	(tag) =	ssettag s2;
	_ =	strace s9  }
0x27: {  	s1 =	sld [smem:$0x3FAB]  }
0x28: {  	s2 =	sld [smem:$0x3FAC]  }
0x29: {  	s4 =	sld [smem:$0x3FAE]  }
0x2a: {  	p0 =	seq.s32 s5, $0x0;
	s5 =	sld [smem:$0x3FAF]  }
0x2b: {  	s6 =	sld [smem:$0x3FB0]  }
0x2c: {  	s7 =	sld [smem:$0x3FB1]  }
0x2d: {  	s3 =	simm.s32 $0x108;
	s8 =	sld [smem:$0x3FB2]  }
0x2e: {  	s3 =	simm.s32 @!p0 $0x1082;
	s9 =	sld [smem:$0x3FB3]  }
0x2f: {  	lr =	sadd.s32 s0, s3;
	s0 =	sld [smem:$0x3FAA]  }
0x30: {  	s3 =	sld [smem:$0x3FAD]  }
0x31: {  	[smem:$0x3FB6] =	sst s10  }
0x32: {  	s10 =	sld [smem:$0x3FB4];
	_ =	sdelay $0x3  }
0x33: {  	p0 =	seq.s32 s10, $0x1;
	s10 =	sld [smem:$0x3FB6];
	_ =	sdelay $0x3  }
0x34: {  	[smem:$0x3FB6] =	sst s10  }
0x35: {  	s10 =	sld [smem:$0x3FB5];
	_ =	sdelay $0x3  }
0x36: {  	p1 =	seq.s32 s10, $0x1;
	s10 =	sld [smem:$0x3FB6];
	_ =	sdelay $0x3  }
0x37: {  	[smem:$0x3FB6] =	sst s10  }
0x38: {  	s10 =	sld [smem:$0x3FB7]  }
0x39: {  	_ = 	snop;
	(pc) =	sbr.ind lr, $3  }
0x3a: {  	_ = 	snop  }
0x3b: {  	_ = 	snop  }
0x3c: {  	p2 =	seq.s32 s10, $0x1;
	s10 =	sld [smem:$0x3FB6]  }
0x3d: {  	_ =	shalt  }
0x3e: {  	_ =	shalt  }
0x3f: {  	_ =	shalt  }
0x40: {  	_ =	shalt  }
0x41: {  	_ =	shalt  }
0x42: {  	_ =	shalt  }
0x43: {  	_ =	shalt  }
0x44: {  	_ =	shalt  }
0x45: {  	_ =	shalt  }
0x46: {  	_ =	shalt  }
0x47: {  	_ =	shalt  }
0x48: {  	_ =	shalt  }
0x49: {  	_ =	shalt  }
0x4a: {  	_ =	shalt  }
0x4b: {  	_ =	shalt  }
0x4c: {  	_ =	shalt  }
0x4d: {  	_ =	shalt  }
0x4e: {  	_ =	shalt  }
0x4f: {  	_ =	shalt  }
0x50: {  	_ =	shalt  }
0x51: {  	_ =	shalt  }
0x52: {  	_ =	shalt  }
0x53: {  	_ =	shalt  }
0x54: {  	_ =	shalt  }
0x55: {  	_ =	shalt  }
0x56: {  	_ =	shalt  }
0x57: {  	_ =	shalt  }
0x58: {  	_ =	shalt  }
0x59: {  	_ =	shalt  }
0x5a: {  	_ =	shalt  }
0x5b: {  	_ =	shalt  }
0x5c: {  	_ =	shalt  }
0x5d: {  	_ =	shalt  }
0x5e: {  	_ =	shalt  }
0x5f: {  	_ =	shalt  }
0x60: {  	_ =	shalt  }
0x61: {  	_ =	shalt  }
0x62: {  	_ =	shalt  }
0x63: {  	_ =	shalt  }
0x64: {  	_ =	shalt  }
0x65: {  	_ =	shalt  }
0x66: {  	_ =	shalt  }
0x67: {  	_ =	shalt  }
0x68: {  	_ =	shalt  }
0x69: {  	_ =	shalt  }
0x6a: {  	_ =	shalt  }
0x6b: {  	_ =	shalt  }
0x6c: {  	_ =	shalt  }
0x6d: {  	_ =	shalt  }
0x6e: {  	_ =	shalt  }
0x6f: {  	_ =	shalt  }
0x70: {  	_ =	shalt  }
0x71: {  	_ =	shalt  }
0x72: {  	_ =	shalt  }
0x73: {  	_ =	shalt  }
0x74: {  	_ =	shalt  }
0x75: {  	_ =	shalt  }
0x76: {  	_ =	shalt  }
0x77: {  	_ =	shalt  }
0x78: {  	_ =	shalt  }
0x79: {  	_ =	shalt  }
0x7a: {  	_ =	shalt  }
0x7b: {  	_ =	shalt  }
0x7c: {  	_ =	shalt  }
0x7d: {  	_ =	shalt  }
0x7e: {  	_ =	shalt  }
0x7f: {  	_ =	shalt  }
0x80: {  	_ =	shalt  }
0x81: {  	_ =	shalt  }
0x82: {  	_ =	shalt  }
0x83: {  	_ =	shalt  }
0x84: {  	_ =	shalt  }
0x85: {  	_ =	shalt  }
0x86: {  	_ =	shalt  }
0x87: {  	_ =	shalt  }
.Lfunc_end0:
.L_simem_size_0:
called_computation_lowered:
.L_overlay_start_0:
0x88: {  	s2 =	sld [smem:$0x3FD9]  }
0x89: {  	s3 =	sld [smem:$0x3FFE];
	_ =	sdelay $0x1  }
0x8a: {  	s1 =	srdreg.scid  }
0x8b: {  	s0 =	sand.u32 $0x1, s1  }
0x8c: {  	s17 =	sshll.u32 s0, $0xA;
	s2 =	sadd.s32 s3, s2  }
0x8d: {  	s2 =	sadd.s32 s2, s17  }
0x8e: {  	[smem:$0x3FC2] =	sst s2  }
0x8f: {  	_ = 	snop  }
0x90: {  	s2 =	sld [smem:$0x3FD0];
	(tm) =	ssettm $0x1  }
0x91: {  	s18 =	sld [smem:$0x3FFB];
	_ =	sdelay $0x3  }
0x92: {  	_ =	strace s18  }
0x93: {  	s3 =	sld [smem:$0x3FFC];
	_ =	sdelay $0x3  }
0x94: {  	_ =	strace s3  }
0x95: {  	s3 =	sld [smem:$0x3FFD];
	_ =	sdelay $0x3  }
0x96: {  	_ =	strace s3  }
0x97: {  	_ =	strace $0x8FFFFFFF  }
0x98: {  	s19 =	sld [smem:$0x3FDB];
	_ =	sdelay $0x1  }
0x99: {  	s4 =	simm.s32 $_scs_section_size  }
0x9a: {  	s5 =	simm.s32 $_size__tile_overlayer_lowered;
	s6 =	simm.s32 $_tile_overlayer_lowered  }
0x9b: {  	s22 =	simm.s32 $0x1BFF;
	s21 =	sshll.u32 s6, $0x1;
	s3 =	sadd.s32 s4, s19  }
0x9c: {  	s7 =	simm.s32 $0x0;
	s20 =	sshll.u32 s5, $0x1;
	s5 =	sadd.s32 s21, s3  }
0x9d: {  	[timem:s7], [sflag:s22] =	dma.local [hbm:s5], s20  }
0x9e: {  	_ =	swait.ge [sflag:s22], s20  }
0x9f: {  	s4 =	ssub.s32 $0x0, s20;
	[sflag:s22] =	ssyncset.done $0x0  }
0xa0: {  	[sflag:s22] =	ssyncadd.s32 s4;
	_ =	sdelay $0x1  }
0xa1: {  	s23 =	simm.s32 $0x1B8B  }
0xa2: {  	_ =	swait.ge [sflag:s23], $0x1  }
0xa3: {  	[sflag:s23] =	ssyncset.done $0x0  }
0xa4: {  	s25 =	simm.s32 $0x1B8E;
	s24 =	sld [smem:$0x3FFE];
	[sflag:s23] =	ssyncadd.s32 $0xFFFFFFFF  }
0xa5: {  	s26 =	simm.s32 $execute0_lowered;
	[smem:$0x3FD2] =	sst s25  }
0xa6: {  	s5 =	sshll.u32 s26, $0x1;
	_ =	strace $0x80000046;
	[dreg:$0x1] =	wrdreg $0xFFFFFFFF  }
0xa7: {  	s28 =	simm.s32 $_size_execute0_lowered;
	s3 =	sadd.s32 s3, s5;
	[dreg:$0x0] =	wrdreg $0x0  }
0xa8: {  	s5 =	sshll.u32 s28, $0x1;
	[dreg:$0x2] =	wrdreg s3  }
0xa9: {  	[dreg:$0x3] =	wrdreg s5  }
0xaa: {  	[dreg:$0x4] =	wrdreg $0xC0  }
0xab: {  	_ =	task [dreg:s7], $0x5FFFF  }
0xac: {  	[dreg:$0x1] =	wrdreg $0xFFFFFFFF  }
0xad: {  	[dreg:$0x0] =	wrdreg $0x60  }
0xae: {  	[dreg:$0x2] =	wrdreg s2  }
0xaf: {  	[dreg:$0x3] =	wrdreg s24  }
0xb0: {  	[dreg:$0x4] =	wrdreg $0x9  }
0xb1: {  	_ =	task.clear_ibuf [dreg:s7], $0x5FFFF;
	_ =	strace $0x90000046  }
0xb2: {  	s29 =	simm.s32 $0x9;
	_ =	strace $0x80000048  }
0xb3: {  	_ =	swait.ge [sflag:s29], $0x1  }
0xb4: {  	[sflag:s29] =	ssyncadd.s32 $0xFFFFFFFF  }
0xb5: {  	_ =	strace $0x90000048  }
0xb6: {  	_ =	sfence  }
0xb7: {  	s30 =	sld [smem:$0x0];
	_ =	sdelay $0x2  }
0xb8: {  	s31 =	sshll.u32 s1, $0xD;
	s1 =	sshrl.u32 s1, $0x2  }
0xb9: {  	s3 =	sand.u32 $0x4000, s31;
	s1 =	sadd.s32 s1, s30  }
0xba: {  	s0 =	sor.u32 s3, s0;
	s1 =	sshll.u32 s1, $0x11  }
0xbb: {  	s0 =	sor.u32 s1, s0  }
0xbc: {  	s0 =	sadd.s32 $0x8F2B, s0  }
0xbd: {  	[sflag:s0] =	ssyncadd.remote.s32 $0x1  }
0xbe: {  	_ =	sfence.sel $0xFFFF  }
0xbf: {  	[dreg:$0x0] =	wrdreg $0xFFFFFFFF;
	(pc) =	sbr.abs _section_cstart, $3  }
0xc0: {  	[dreg:$0x1] =	wrdreg $0xFFFFFFFF  }
0xc1: {  	_ =	task.clear_ibuf [dreg:s7], $0x2FFFF;
	_ =	strace $0x9FFFFFFF  }
0xc2: {  	(tm) =	ssettm $0x7FFFFFFF  }
0xc3: {  	_ =	shalt  }
tec
execute0_lowered:
.L_overlay_start_1:
0x0: {  	(tag) =	ssettag $0x1  }
0x1: {  	s1 =	stileid.u32  }
0x2: {  	p0 =	sgt.u32 s1, $0x3  }
.Ltmp0:
0x3: {  	_ = 	snop;
	(pc) =	sbr.rel @p0 .LBB2_4-.Ltmp0, $4  }
0x4: {  	s3 =	rddreg [dreg:$0x0]  }
0x5: {  	s5 =	rddreg [dreg:$0x1];
	s2 =	simm.s32 $0x0  }
0x6: {  	[smem:$0x7FF] =	sst s2  }
0x7: {  	s0 =	rddreg [dreg:$0x2];
	_ =	strace $0x80000047  }
0x8: {  	s4 =	srdreg.scid  }
0x9: {  	s7 =	sand.u32 $0x1, s4  }
0xa: {  	s31 =	sshll.u32 s1, $0x8;
	s6 =	sshll.u32 s7, $0x7  }
0xb: {  	s6 =	sor.u32 s6, s31  }
0xc: {  	s4 =	sadd.s32 s3, s6;
	s3 =	simm.s32 $0x1  }
0xd: {  	[tilespmem:s2], [sflag:$0x1] =	stream.linear.gather [hbm4b:s4+s2], $0x400, $0x38;
	[tilespmem:$0x800] =	vst v63  }
0xe: {  	_ =	swait.ge [sflag:s3], $0x400  }
0xf: {  	[sflag:s3] =	ssyncset.done $0x0  }
0x10: {  	[sflag:s3] =	ssyncadd.s32 $0xFFFFFC00  }
0x11: {  	v0 =	vld [tilespmem:$0x0]  }
0x12: {  	v1 =	vld [tilespmem:$0x80]  }
0x13: {  	v2 =	vld [tilespmem:$0x100]  }
0x14: {  	v3 =	vld [tilespmem:$0x180]  }
0x15: {  	v4 =	vld [tilespmem:$0x200]  }
0x16: {  	v5 =	vld [tilespmem:$0x280]  }
0x17: {  	v6 =	vld [tilespmem:$0x300];
	v7 =	vmax.f32 v0, v1  }
0x18: {  	v8 =	vld [tilespmem:$0x380];
	v7 =	vmax.f32 v7, v2  }
0x19: {  	v7 =	vmax.f32 v7, v3  }
0x1a: {  	v7 =	vmax.f32 v7, v4  }
0x1b: {  	v7 =	vmax.f32 v7, v5  }
0x1c: {  	v7 =	vmax.f32 v7, v6  }
0x1d: {  	v7 =	vmax.f32 v7, v8  }
0x1e: {  	v0 =	vsub.f32 v0, v7  }
0x1f: {  	v1 =	vsub.f32 v1, v7  }
0x20: {  	v3 =	vsub.f32 v3, v7;
	v0 =	vmul.f32 $1.442695020e+00, v0  }
0x21: {  	v2 =	vsub.f32 v2, v7;
	v1 =	vmul.f32 $1.442695020e+00, v1  }
0x22: {  	v3 =	vmul.f32 $1.442695020e+00, v3;
	(erf) = vpow2.f32 v0  }
0x23: {  	v0 =	vmul.f32 $1.442695020e+00, v2;
	(erf) = vpow2.f32 v1  }
0x24: {  	(erf) = vpow2.f32 v3  }
0x25: {  	(erf) = vpow2.f32 v0  }
0x26: {  	v1 =	vsub.f32 v4, v7;
	v0 =	vsub.f32 v5, v7;
	_ =	sdelay $0x1  }
0x27: {  	v2 =	vsub.f32 v6, v7;
	v1 =	vmul.f32 $1.442695020e+00, v1;
	v0 =	vmul.f32 $1.442695020e+00, v0;
	_ =	sdelay $0x1  }
0x28: {  	v2 =	vmul.f32 $1.442695020e+00, v2;
	(erf) = vpow2.f32 v1  }
0x29: {  	v3 =	vpop (erf)  }
0x2a: {  	v1 =	vsub.f32 v8, v7;
	(erf) = vpow2.f32 v0;
	v0 =	vpop (erf)  }
0x2b: {  	v4 =	vadd.f32 v0, v3;
	v5 =	vpop (erf)  }
0x2c: {  	v1 =	vmul.f32 $1.442695020e+00, v1;
	(erf) = vpow2.f32 v2;
	v2 =	vpop (erf)  }
0x2d: {  	v4 =	vadd.f32 v4, v2  }
0x2e: {  	(erf) = vpow2.f32 v1;
	_ =	sdelay $0x1  }
0x2f: {  	v1 =	vadd.f32 v4, v5  }
0x30: {  	v4 =	vpop (erf)  }
0x31: {  	v1 =	vadd.f32 v1, v4  }
0x32: {  	v6 =	vpop (erf)  }
0x33: {  	v1 =	vadd.f32 v1, v6  }
0x34: {  	v7 =	vpop (erf)  }
0x35: {  	v1 =	vadd.f32 v1, v7  }
0x36: {  	v8 =	vpop (erf)  }
0x37: {  	v1 =	vadd.f32 v1, v8;
	_ =	sdelay $0x1  }
0x38: {  	(erf) = vrcp.f32 v1;
	_ =	sdelay $0x8  }
0x39: {  	v1 =	vpop (erf)  }
0x3a: {  	v9 =	vmul.f32 v1, v3;
	v13 =	vmul.f32 v1, v0  }
0x3b: {  	v2 =	vmul.f32 v1, v2  }
0x3c: {  	v14 =	vmul.f32 v1, v5;
	v0 =	vmax.f32 v9, v13  }
0x3d: {  	v4 =	vmul.f32 v1, v4;
	v0 =	vmax.f32 v0, v2  }
0x3e: {  	v15 =	vmul.f32 v1, v6;
	v0 =	vmax.f32 v0, v14  }
0x3f: {  	v5 =	vmul.f32 v1, v7;
	v0 =	vmax.f32 v0, v4  }
0x40: {  	v1 =	vmul.f32 v1, v8;
	v0 =	vmax.f32 v0, v15  }
0x41: {  	v0 =	vmax.f32 v0, v5  }
0x42: {  	v6 =	vmax.f32 v0, v1  }
0x43: {  	v0 =	vimm.f32 $8.000000000e+00;
	vm0 =	veq.f32 v9, v6;
	vm1 =	veq.f32 v13, v6  }
0x44: {  	vm2 =	veq.f32 v2, v6;
	v3 =	vsel vm0, $0x0, v0;
	v7 =	vsel vm1, $0x3F800000, v0  }
0x45: {  	vm0 =	veq.f32 v14, v6;
	v3 =	vmin.f32 v3, v7;
	v7 =	vsel vm2, $0x40000000, v0  }
0x46: {  	vm1 =	veq.f32 v4, v6;
	v3 =	vmin.f32 v3, v7;
	v7 =	vsel vm0, $0x40400000, v0  }
0x47: {  	vm0 =	veq.f32 v15, v6;
	v3 =	vmin.f32 v3, v7;
	v7 =	vsel vm1, $0x40800000, v0  }
0x48: {  	vm1 =	veq.f32 v5, v6;
	v3 =	vmin.f32 v3, v7;
	v7 =	vsel vm0, $0x40A00000, v0  }
0x49: {  	vm0 =	veq.f32 v1, v6;
	v3 =	vmin.f32 v3, v7;
	v7 =	vsel vm1, $0x40C00000, v0  }
0x4a: {  	v3 =	vmin.f32 v3, v7;
	v7 =	vsel vm0, $0x40E00000, v0  }
0x4b: {  	v3 =	vmin.f32 v3, v7  }
0x4c: {  	vm2 =	veq.f32 v3, $0.0e+00;
	vm0 =	veq.f32 v3, $1.000000000e+00;
	vm1 =	veq.f32 v3, $2.000000000e+00  }
0x4d: {  	vm4 =	veq.f32 v3, $3.000000000e+00;
	v7 =	vsel vm2, $0xBF800000, v9;
	v8 =	vsel vm0, $0xBF800000, v13  }
0x4e: {  	vm5 =	veq.f32 v3, $4.000000000e+00;
	v10 =	vsel vm1, $0xBF800000, v2;
	v11 =	vmax.f32 v7, v8  }
0x4f: {  	vm6 =	veq.f32 v3, $5.000000000e+00;
	v12 =	vsel vm4, $0xBF800000, v14;
	v11 =	vmax.f32 v11, v10  }
0x50: {  	vm7 =	veq.f32 v3, $6.000000000e+00;
	v16 =	vsel vm5, $0xBF800000, v4;
	v11 =	vmax.f32 v11, v12  }
0x51: {  	vm3 =	veq.f32 v3, $7.000000000e+00;
	v17 =	vsel vm6, $0xBF800000, v15;
	v3 =	vmax.f32 v11, v16  }
0x52: {  	v18 =	vnsel vm7, $0x0, v5;
	v11 =	vsel vm7, $0xBF800000, v5;
	v3 =	vmax.f32 v3, v17  }
0x53: {  	v19 =	vsel vm3, $0xBF800000, v1;
	v20 =	vnsel vm5, $0x0, v4;
	v3 =	vmax.f32 v3, v11  }
0x54: {  	v22 =	vnsel vm4, $0x0, v14;
	v61 =	vnsel vm2, $0x0, v9;
	v21 =	vmax.f32 v3, v19  }
0x55: {  	v3 =	vnsel vm6, $0x0, v15;
	vm8 =	veq.f32 v7, v21;
	vm9 =	veq.f32 v8, v21  }
0x56: {  	v6 =	vadd.f32 v21, v6;
	vm10 =	veq.f32 v10, v21;
	vm11 =	veq.f32 v12, v21  }
0x57: {  	vm12 =	veq.f32 v16, v21;
	v7 =	vsel vm8, $0x0, v0;
	v8 =	vsel vm9, $0x3F800000, v0  }
0x58: {  	v7 =	vmin.f32 v7, v8;
	v8 =	vsel vm10, $0x40000000, v0;
	v6 =	vadd.f32 $9.999999710e-10, v6  }
0x59: {  	vm13 =	veq.f32 v17, v21;
	v7 =	vmin.f32 v7, v8;
	v8 =	vsel vm11, $0x40400000, v0  }
0x5a: {  	(erf) = vrcp.f32 v6;
	v6 =	vmin.f32 v7, v8;
	v7 =	vsel vm12, $0x40800000, v0  }
0x5b: {  	vm14 =	veq.f32 v11, v21;
	v6 =	vmin.f32 v6, v7;
	v7 =	vsel vm13, $0x40A00000, v0  }
0x5c: {  	s7 =	ssub.s32 $0x2, s7;
	vm15 =	veq.f32 v19, v21;
	v6 =	vmin.f32 v6, v7;
	v7 =	vsel vm14, $0x40C00000, v0  }
0x5d: {  	s8 =	sshrl.u32 s7, $0x1;
	v10 =	vnsel vm3, $0x0, v1;
	v6 =	vmin.f32 v6, v7;
	v7 =	vsel vm15, $0x40E00000, v0  }
0x5e: {  	s7 =	ssub.s32 s7, s8;
	v11 =	vnsel vm0, $0x0, v13;
	v12 =	vnsel vm1, $0x0, v2;
	v62 =	vmin.f32 v6, v7  }
0x5f: {  	s7 =	smax.u32 s7, $0x1;
	vm0 =	veq.f32 v62, $0.0e+00;
	vm1 =	veq.f32 v62, $1.000000000e+00;
	vm2 =	veq.f32 v62, $2.000000000e+00  }
0x60: {  	p0 =	sne.s32 s7, $0x1;
	vm3 =	veq.f32 v62, $4.000000000e+00;
	v63 =	vnsel vm0, $0x0, v9;
	vm0 =	veq.f32 v62, $3.000000000e+00  }
.Ltmp1:
0x61: {  	v6 =	vnsel vm2, $0x0, v2;
	v2 =	vnsel vm3, $0x0, v4;
	vm2 =	veq.f32 v62, $6.000000000e+00;
	(pc) =	sbr.rel @!p0 .LBB2_3-.Ltmp1, $4  }
0x62: {  	v7 =	vnsel vm1, $0x0, v13;
	v2 =	vadd.f32 v2, v20;
	v4 =	vnsel vm2, $0x0, v5  }
0x63: {  	v8 =	vnsel vm0, $0x0, v14;
	vm0 =	veq.f32 v62, $5.000000000e+00;
	v14 =	vadd.f32 v4, v18;
	v5 =	vpop (erf)  }
0x64: {  	s5 =	sadd.s32 s6, s5;
	v13 =	vadd.f32 v63, v61;
	v8 =	vadd.f32 v8, v22;
	v9 =	vmul.f32 v2, v5  }
0x65: {  	s6 =	simm.s32 $0x400;
	s5 =	sadd.s32 $0x1400, s5;
	s7 =	sadd.s32 $0xFFFFFFFF, s7;
	v4 =	vnsel vm0, $0x0, v15;
	vm0 =	veq.f32 v62, $7.000000000e+00;
	v2 =	vmul.f32 v14, v5  }
.LBB2_2:
0x66: {  	p0 =	sne.s32 s7, $0x1;
	s7 =	sadd.s32 $0xFFFFFFFF, s7;
	v8 =	vmul.f32 v8, v5;
	[tilespmem:$0x600] =	vst v9;
	v3 =	vadd.f32 v4, v3;
	v1 =	vnsel vm0, $0x0, v1  }
0x67: {  	v7 =	vadd.f32 v7, v11;
	v6 =	vadd.f32 v6, v12;
	v4 =	vmul.f32 v13, v5;
	[tilespmem:$0x700] =	vst v2  }
0x68: {  	v1 =	vadd.f32 v1, v10;
	[tilespmem:$0x580] =	vst v8;
	v2 =	vmul.f32 v3, v5  }
0x69: {  	v3 =	vmul.f32 v7, v5;
	[tilespmem:$0x400] =	vst v4;
	v4 =	vmul.f32 v6, v5  }
0x6a: {  	v1 =	vmul.f32 v1, v5;
	[tilespmem:$0x680] =	vst v2  }
0x6b: {  	[tilespmem:$0x500] =	vst v4  }
0x6c: {  	[tilespmem:$0x480] =	vst v3;
	_ =	sdelay $0x1  }
0x6d: {  	[tilespmem:$0x780] =	vst v1  }
0x6e: {  	[hbm4b:s5+s2] =	stream.linear.scatter [tilespmem:s6], [sflag:$0x1], $0x400, $0x38;
	[tilespmem:$0x800] =	vst v63  }
0x6f: {  	_ =	swait.ge [sflag:s3], $0x400  }
0x70: {  	[sflag:s3] =	ssyncset.done $0x0  }
0x71: {  	[sflag:s3] =	ssyncadd.s32 $0xFFFFFC00  }
0x72: {  	[tilespmem:s2], [sflag:$0x1] =	stream.linear.gather [hbm4b:s4+s2], $0x400, $0x38;
	[tilespmem:$0x800] =	vst v63  }
0x73: {  	_ =	swait.ge [sflag:s3], $0x400  }
0x74: {  	[sflag:s3] =	ssyncset.done $0x0  }
0x75: {  	[sflag:s3] =	ssyncadd.s32 $0xFFFFFC00  }
0x76: {  	v1 =	vld [tilespmem:$0x0]  }
0x77: {  	v2 =	vld [tilespmem:$0x80]  }
0x78: {  	v3 =	vld [tilespmem:$0x100]  }
0x79: {  	v4 =	vld [tilespmem:$0x180]  }
0x7a: {  	v5 =	vld [tilespmem:$0x200]  }
0x7b: {  	v6 =	vld [tilespmem:$0x280]  }
0x7c: {  	v7 =	vld [tilespmem:$0x300];
	v8 =	vmax.f32 v1, v2  }
0x7d: {  	v9 =	vld [tilespmem:$0x380];
	v8 =	vmax.f32 v8, v3  }
0x7e: {  	v8 =	vmax.f32 v8, v4  }
0x7f: {  	v8 =	vmax.f32 v8, v5  }
0x80: {  	v8 =	vmax.f32 v8, v6  }
0x81: {  	v8 =	vmax.f32 v8, v7  }
0x82: {  	v8 =	vmax.f32 v8, v9  }
0x83: {  	v1 =	vsub.f32 v1, v8;
	v2 =	vsub.f32 v2, v8  }
0x84: {  	v3 =	vsub.f32 v3, v8;
	v4 =	vsub.f32 v4, v8  }
0x85: {  	v5 =	vsub.f32 v5, v8;
	v1 =	vmul.f32 $1.442695020e+00, v1;
	v2 =	vmul.f32 $1.442695020e+00, v2  }
0x86: {  	v6 =	vsub.f32 v6, v8;
	v3 =	vmul.f32 $1.442695020e+00, v3;
	v4 =	vmul.f32 $1.442695020e+00, v4  }
0x87: {  	v7 =	vsub.f32 v7, v8;
	v5 =	vmul.f32 $1.442695020e+00, v5;
	(erf) = vpow2.f32 v1  }
0x88: {  	v1 =	vmul.f32 $1.442695020e+00, v6;
	v6 =	vsub.f32 v9, v8;
	(erf) = vpow2.f32 v2  }
0x89: {  	v2 =	vmul.f32 $1.442695020e+00, v7;
	(erf) = vpow2.f32 v4  }
0x8a: {  	v4 =	vmul.f32 $1.442695020e+00, v6;
	(erf) = vpow2.f32 v3;
	_ =	sdelay $0x3  }
0x8b: {  	(erf) = vpow2.f32 v5;
	_ =	sdelay $0x1  }
0x8c: {  	v3 =	vpop (erf);
	(erf) = vpow2.f32 v1  }
0x8d: {  	v1 =	vpop (erf)  }
0x8e: {  	v5 =	vadd.f32 v1, v3;
	v7 =	vpop (erf);
	(erf) = vpow2.f32 v2  }
0x8f: {  	v8 =	vpop (erf)  }
0x90: {  	v2 =	vadd.f32 v5, v8;
	(erf) = vpow2.f32 v4;
	_ =	sdelay $0x1  }
0x91: {  	v2 =	vadd.f32 v2, v7  }
0x92: {  	v4 =	vpop (erf)  }
0x93: {  	v2 =	vadd.f32 v2, v4  }
0x94: {  	v9 =	vpop (erf)  }
0x95: {  	v2 =	vadd.f32 v2, v9  }
0x96: {  	v10 =	vpop (erf)  }
0x97: {  	v2 =	vadd.f32 v2, v10  }
0x98: {  	v11 =	vpop (erf)  }
0x99: {  	v2 =	vadd.f32 v2, v11;
	_ =	sdelay $0x1  }
0x9a: {  	(erf) = vrcp.f32 v2;
	_ =	sdelay $0x8  }
0x9b: {  	v12 =	vpop (erf)  }
0x9c: {  	v6 =	vmul.f32 v12, v3;
	v2 =	vmul.f32 v12, v7  }
0x9d: {  	v5 =	vmul.f32 v12, v1  }
0x9e: {  	v7 =	vmul.f32 v12, v8  }
0x9f: {  	v1 =	vmax.f32 v6, v5  }
0xa0: {  	v8 =	vmul.f32 v12, v4;
	v1 =	vmax.f32 v1, v7  }
0xa1: {  	v4 =	vmul.f32 v12, v9;
	v1 =	vmax.f32 v1, v2  }
0xa2: {  	v9 =	vmul.f32 v12, v10;
	v3 =	vmax.f32 v1, v8  }
0xa3: {  	v1 =	vmul.f32 v12, v11;
	v3 =	vmax.f32 v3, v4  }
0xa4: {  	v3 =	vmax.f32 v3, v9  }
0xa5: {  	v10 =	vmax.f32 v3, v1  }
0xa6: {  	vm0 =	veq.f32 v6, v10;
	vm1 =	veq.f32 v5, v10;
	vm2 =	veq.f32 v7, v10  }
0xa7: {  	v3 =	vsel vm0, $0x0, v0;
	v11 =	vsel vm1, $0x3F800000, v0;
	vm0 =	veq.f32 v8, v10  }
0xa8: {  	vm1 =	veq.f32 v2, v10;
	v3 =	vmin.f32 v3, v11;
	v11 =	vsel vm2, $0x40000000, v0  }
0xa9: {  	v3 =	vmin.f32 v3, v11;
	v11 =	vsel vm1, $0x40400000, v0;
	vm1 =	veq.f32 v4, v10  }
0xaa: {  	v3 =	vmin.f32 v3, v11;
	v11 =	vsel vm0, $0x40800000, v0;
	vm0 =	veq.f32 v9, v10  }
0xab: {  	v3 =	vmin.f32 v3, v11;
	v11 =	vsel vm1, $0x40A00000, v0;
	vm1 =	veq.f32 v1, v10  }
0xac: {  	v3 =	vmin.f32 v3, v11;
	v11 =	vsel vm0, $0x40C00000, v0  }
0xad: {  	v3 =	vmin.f32 v3, v11;
	v11 =	vsel vm1, $0x40E00000, v0  }
0xae: {  	v3 =	vmin.f32 v3, v11  }
0xaf: {  	vm2 =	veq.f32 v3, $0.0e+00;
	vm0 =	veq.f32 v3, $1.000000000e+00;
	vm1 =	veq.f32 v3, $2.000000000e+00  }
0xb0: {  	v11 =	vsel vm2, $0xBF800000, v6;
	v12 =	vsel vm0, $0xBF800000, v5;
	v13 =	vsel vm1, $0xBF800000, v7  }
0xb1: {  	vm4 =	veq.f32 v3, $3.000000000e+00;
	vm5 =	veq.f32 v3, $4.000000000e+00;
	v14 =	vmax.f32 v11, v12  }
0xb2: {  	vm6 =	veq.f32 v3, $5.000000000e+00;
	v15 =	vsel vm4, $0xBF800000, v2;
	v14 =	vmax.f32 v14, v13  }
0xb3: {  	vm7 =	veq.f32 v3, $6.000000000e+00;
	v16 =	vsel vm5, $0xBF800000, v8;
	v14 =	vmax.f32 v14, v15  }
0xb4: {  	vm3 =	veq.f32 v3, $7.000000000e+00;
	v17 =	vsel vm6, $0xBF800000, v4;
	v3 =	vmax.f32 v14, v16  }
0xb5: {  	v18 =	vnsel vm7, $0x0, v9;
	v14 =	vsel vm7, $0xBF800000, v9;
	v3 =	vmax.f32 v3, v17  }
0xb6: {  	v19 =	vsel vm3, $0xBF800000, v1;
	v20 =	vnsel vm5, $0x0, v8;
	v3 =	vmax.f32 v3, v14  }
0xb7: {  	v22 =	vnsel vm4, $0x0, v2;
	v21 =	vmax.f32 v3, v19;
	v3 =	vnsel vm6, $0x0, v4  }
0xb8: {  	vm4 =	veq.f32 v11, v21;
	vm5 =	veq.f32 v12, v21;
	v10 =	vadd.f32 v21, v10  }
0xb9: {  	v11 =	vsel vm4, $0x0, v0;
	v12 =	vsel vm5, $0x3F800000, v0;
	vm4 =	veq.f32 v13, v21  }
0xba: {  	v11 =	vmin.f32 v11, v12;
	v12 =	vsel vm4, $0x40000000, v0;
	v10 =	vadd.f32 $9.999999710e-10, v10  }
0xbb: {  	vm5 =	veq.f32 v16, v21;
	vm4 =	veq.f32 v15, v21;
	v11 =	vmin.f32 v11, v12  }
0xbc: {  	v12 =	vsel vm4, $0x40400000, v0;
	vm4 =	veq.f32 v17, v21;
	(erf) = vrcp.f32 v10  }
0xbd: {  	v10 =	vmin.f32 v11, v12;
	v11 =	vsel vm5, $0x40800000, v0;
	vm5 =	veq.f32 v14, v21  }
0xbe: {  	v10 =	vmin.f32 v10, v11;
	v11 =	vsel vm4, $0x40A00000, v0;
	vm4 =	veq.f32 v19, v21  }
0xbf: {  	v12 =	vsel vm5, $0x40C00000, v0;
	v11 =	vmin.f32 v10, v11;
	v10 =	vnsel vm3, $0x0, v1  }
0xc0: {  	v13 =	vnsel vm2, $0x0, v6;
	v11 =	vmin.f32 v11, v12;
	v12 =	vsel vm4, $0x40E00000, v0  }
0xc1: {  	v14 =	vmin.f32 v11, v12;
	v11 =	vnsel vm0, $0x0, v5;
	v12 =	vnsel vm1, $0x0, v7  }
0xc2: {  	vm0 =	veq.f32 v14, $0.0e+00;
	vm1 =	veq.f32 v14, $1.000000000e+00;
	vm2 =	veq.f32 v14, $2.000000000e+00  }
0xc3: {  	vm3 =	veq.f32 v14, $4.000000000e+00;
	v15 =	vnsel vm0, $0x0, v6;
	vm0 =	veq.f32 v14, $3.000000000e+00  }
.Ltmp2:
0xc4: {  	v6 =	vnsel vm2, $0x0, v7;
	v8 =	vnsel vm3, $0x0, v8;
	vm2 =	veq.f32 v14, $6.000000000e+00;
	(pc) =	sbr.rel @p0 .LBB2_2-.Ltmp2, $4  }
0xc5: {  	v7 =	vnsel vm1, $0x0, v5;
	v16 =	vadd.f32 v8, v20;
	v8 =	vnsel vm2, $0x0, v9;
	v5 =	vpop (erf)  }
0xc6: {  	v2 =	vnsel vm0, $0x0, v2;
	vm0 =	veq.f32 v14, $5.000000000e+00;
	v17 =	vadd.f32 v8, v18  }
0xc7: {  	v8 =	vadd.f32 v2, v22;
	v4 =	vnsel vm0, $0x0, v4;
	v9 =	vmul.f32 v16, v5  }
0xc8: {  	v13 =	vadd.f32 v15, v13;
	vm0 =	veq.f32 v14, $7.000000000e+00;
	v2 =	vmul.f32 v17, v5  }
.LBB2_3:
0xc9: {  	v0 =	vmul.f32 v8, v5;
	[tilespmem:$0x600] =	vst v9;
	v3 =	vadd.f32 v4, v3  }
0xca: {  	v6 =	vadd.f32 v6, v12;
	v59 =	vmul.f32 v13, v5;
	[tilespmem:$0x700] =	vst v2  }
0xcb: {  	v1 =	vnsel vm0, $0x0, v1;
	v60 =	vadd.f32 v7, v11;
	[tilespmem:$0x580] =	vst v0;
	v61 =	vmul.f32 v3, v5  }
0xcc: {  	v1 =	vadd.f32 v1, v10;
	v62 =	vmul.f32 v6, v5;
	[tilespmem:$0x400] =	vst v59  }
0xcd: {  	v2 =	vmul.f32 v60, v5;
	[tilespmem:$0x680] =	vst v61  }
0xce: {  	v63 =	vmul.f32 v1, v5;
	[tilespmem:$0x500] =	vst v62  }
0xcf: {  	[tilespmem:$0x480] =	vst v2  }
0xd0: {  	[tilespmem:$0x780] =	vst v63  }
0xd1: {  	[hbm4b:s5+s2] =	stream.linear.scatter [tilespmem:s6], [sflag:$0x1], $0x400, $0x38;
	[tilespmem:$0x800] =	vst v63  }
0xd2: {  	_ =	swait.ge [sflag:s3], $0x400  }
0xd3: {  	[sflag:s3] =	ssyncset.done $0x0  }
0xd4: {  	[sflag:s3] =	ssyncadd.s32 $0xFFFFFC00  }
.LBB2_4:
0xd5: {  	_ =	sfence.sel $0x180000  }
0xd6: {  	[bflag:$0x0] =	sbarrier.arrive $0xFFFF  }
0xd7: {  	p0 =	sne.s32 s1, $0x0;
	_ =	strace $0x90000047  }
0xd8: {  	s0 =	sadd.s32 @!p0 $0x100000, s0;
	[bflag:$0x2] =	sbarrier.arrive $0xFFFF  }
0xd9: {  	[sflag:s0] =	ssyncadd.tile.s32 @!p0 $0x1;
	_ =	shalt  }
.Lfunc_end2:
_tile_overlayer_lowered:
.L_overlay_start_2:
0xda: {  	(tag) =	ssettag $0x2  }
0xdb: {  	s0 =	rddreg [dreg:$0x0];
	s2 =	stileid.u32  }
0xdc: {  	s1 =	rddreg [dreg:$0x1];
	p0 =	sne.s32 s2, $0x0  }
0xdd: {  	s3 =	rddreg [dreg:$0x2];
	[bflag:$0x3] =	sbarrier.arrive $0xFFFF;
	s2 =	simm.s32 @!p0 $0x1C01  }
0xde: {  	[timem:s3], [sflag:s2] =	dma.local @!p0 [hbm:s0], s1  }
0xdf: {  	s0 =	simm.s32 @!p0 $0x1  }
0xe0: {  	_ =	swait.ge @!p0 [sflag:s0], s1  }
0xe1: {  	s1 =	ssub.s32 @!p0 $0x0, s1;
	[sflag:s0] =	ssyncset.done @!p0 $0x0  }
0xe2: {  	[sflag:s0] =	ssyncadd.s32 @!p0 s1  }
0xe3: {  	[bflag:$0x3] =	sbarrier.arrive $0xFFFF  }
0xe4: {  	_ =	shalt  }

</sc_bundles>
